<compile_context>
chip_gen: v7x
topology: tpu7x:2x2x1
jax: 0.10.2.dev20260603
libtpu: 0.0.44.dev20260713+nightly
codegen_flags: <defaults>
</compile_context>

<pallas_src>
import functools

import numpy as np
import jax
import jax.numpy as jnp
from jax import lax
from jax.experimental import pallas as pl
from jax.experimental.pallas import tpu as pltpu
from jax.experimental.pallas import tpu_sc as plsc

_D = 128
_B = 16384
_NREL_PAD = 128

_ii = np.arange(_D, dtype=np.float64)[:, None]
_jj = np.arange(_D, dtype=np.float64)[None, :]
_G_np = np.where(_jj <= 64,
                 np.cos(2 * np.pi * _jj * _ii / _D),
                 -np.sin(2 * np.pi * (_jj - 64) * _ii / _D))
_GS_np = np.concatenate([_G_np[:, 64:], _G_np[:, :64]], axis=1)

_M1_np = np.zeros((_D, _D))
_M2_np = np.zeros((_D, _D))
for _c in range(_D):
    if _c <= 63:
        _w = (1.0 if _c == 0 else 2.0) / _D
        _M1_np[:, _c] = _w * np.cos(2 * np.pi * _c * _ii[:, 0] / _D)
        if _c > 0:
            _M2_np[:, _c] = -(2.0 / _D) * np.sin(2 * np.pi * _c * _ii[:, 0] / _D)
    elif _c == 64:
        _M1_np[:, _c] = (1.0 / _D) * np.cos(np.pi * _ii[:, 0])
    else:
        _f = _c - 64
        _M1_np[:, _c] = (2.0 / _D) * np.cos(2 * np.pi * _f * _ii[:, 0] / _D)
        _M2_np[:, _c] = (2.0 / _D) * np.sin(2 * np.pi * _f * _ii[:, 0] / _D)

_G = _G_np.astype(np.float32)
_M12T = np.concatenate([_M1_np.T, _M2_np.T], axis=0).astype(np.float32)

_NC, _NS = 2, 16
_NW = _NC * _NS
_BPW = _B // _NW
_CH = 128
_NCHUNK = _BPW // _CH

_NBUF = 3


@functools.cache
def _sc_gather_fn(nb):
    mesh = plsc.VectorSubcoreMesh(core_axis_name="c", subcore_axis_name="s")
    bpw = nb // _NW
    nchunk = bpw // _CH

    @functools.partial(
        pl.kernel,
        out_type=[jax.ShapeDtypeStruct((nb, _D), jnp.float32),
                  jax.ShapeDtypeStruct((nb, _D), jnp.float32)],
        mesh=mesh,
        scratch_types=[
            pltpu.VMEM((nchunk, _CH), jnp.int32),
            pltpu.VMEM((nchunk, _CH), jnp.int32),
        ] + [pltpu.VMEM((_CH, _D), jnp.float32)] * _NBUF
          + [pltpu.SemaphoreType.DMA] * (2 * _NBUF),
    )
    def _sc_gather(ss_r, os_r, e_hbm, es_out, eo_out, idx_s, idx_o,
                   *bufs_and_sems):
        bufs = bufs_and_sems[:_NBUF]
        gsem = bufs_and_sems[_NBUF:2 * _NBUF]
        wsem = bufs_and_sems[2 * _NBUF:]
        wid = lax.axis_index("s") * _NC + lax.axis_index("c")
        base = wid * bpw
        pltpu.sync_copy(ss_r.at[wid], idx_s)
        pltpu.sync_copy(os_r.at[wid], idx_o)

        def chunk(c):
            if c < nchunk:
                return idx_s.at[c], es_out.at[pl.ds(base + c * _CH, _CH)]
            return idx_o.at[c - nchunk], eo_out.at[
                pl.ds(base + (c - nchunk) * _CH, _CH)]

        nch = 2 * nchunk
        gd = [None] * _NBUF
        wb = [None] * _NBUF
        for c in range(nch):
            b = c % _NBUF
            if wb[b] is not None:
                wb[b].wait()
            idx, _ = chunk(c)
            gd[b] = pltpu.async_copy(e_hbm.at[idx], bufs[b], gsem[b])
            if c >= 1:
                pb = (c - 1) % _NBUF
                gd[pb].wait()
                _, dst = chunk(c - 1)
                wb[pb] = pltpu.async_copy(bufs[pb], dst, wsem[pb])
        lb = (nch - 1) % _NBUF
        gd[lb].wait()
        _, dst = chunk(nch - 1)
        wb[lb] = pltpu.async_copy(bufs[lb], dst, wsem[lb])
        for b in range(_NBUF):
            if wb[b] is not None:
                wb[b].wait()

    return _sc_gather


_BLK = 2048
_GRID = _B // _BLK


def _dot(a, b):
    return jnp.dot(a, b, preferred_element_type=jnp.float32,
                   precision=lax.Precision.DEFAULT)


def _tc_body(es_ref, eo_ref, ps_ref, rp_ref, g_ref, m12t_ref,
             out_ref, cc_s):
    @pl.when(pl.program_id(0) == 0)
    def _prep():
        cc_s[...] = lax.dot_general(
            m12t_ref[...], rp_ref[...], (((1,), (1,)), ((), ())),
            preferred_element_type=jnp.float32)

    a = _dot(es_ref[...], g_ref[...])
    b = _dot(eo_ref[...], g_ref[...])
    bs = pltpu.roll(b, 64, axis=1)
    u = jnp.concatenate([a * b, a * bs], axis=1)
    s = _dot(u, cc_s[...])
    msk = ps_ref[...][:, None] == lax.broadcasted_iota(jnp.int32,
                                                       (_BLK, _NREL_PAD), 1)
    out_ref[...] = jnp.sum(jnp.where(msk, s, 0.0), axis=1)


def _tc_score_call(es, eo, ps_full, rp, blk_off):
    nb = es.shape[0]
    return pl.pallas_call(
        _tc_body,
        grid=(nb // _BLK,),
        in_specs=[
            pl.BlockSpec((_BLK, _D), lambda i: (i, 0)),
            pl.BlockSpec((_BLK, _D), lambda i: (i, 0)),
            pl.BlockSpec((_BLK,), lambda i: (i + blk_off,)),
            pl.BlockSpec((_NREL_PAD, _D), lambda i: (0, 0)),
            pl.BlockSpec((_D, _D), lambda i: (0, 0)),
            pl.BlockSpec((2 * _D, _D), lambda i: (0, 0)),
        ],
        out_specs=pl.BlockSpec((_BLK,), lambda i: (i,)),
        out_shape=jax.ShapeDtypeStruct((nb,), jnp.float32),
        scratch_shapes=[
            pltpu.VMEM((2 * _D, _NREL_PAD), jnp.float32),
        ],
    )(es, eo, ps_full, rp, _G, _M12T)


def kernel(ss, ps, os, E, R):
    ss = ss.astype(jnp.int32).reshape(_NW, -1, _CH)
    os = os.astype(jnp.int32).reshape(_NW, -1, _CH)
    ps = ps.astype(jnp.int32)
    rp = jnp.pad(R, ((0, _NREL_PAD - R.shape[0]), (0, 0)))
    es, eo = _sc_gather_fn(_B)(ss, os, E)
    return _tc_score_call(es, eo, ps, rp, 0)

# --- scband reference (transcript-rebuilt; emitter-appended) ---
"""Pipeline reference for scband-weighted-hol-e-86079734547028 (READ-ONLY COPY).

The authoritative reference and input builder live on the scoring server;
editing this copy changes nothing except your own understanding.
"""

import jax, jax.numpy as jnp
import numpy as np

N_ENT = 100000
N_REL = 100
EMBED_DIM = 128
BATCH = 16384


def ccorr(a, b):
    # circular correlation via FFT: irfft(conj(rfft(a)) * rfft(b))
    d = a.shape[-1]
    return jnp.fft.irfft(jnp.conj(jnp.fft.rfft(a, axis=-1)) * jnp.fft.rfft(b, axis=-1), n=d, axis=-1)


def setup_inputs(seed: int = 0) -> dict:
    key = jax.random.key(seed)
    k1, k2, k3, k4, k5 = jax.random.split(key, 5)
    ss = jax.random.randint(k1, (BATCH,), 0, N_ENT)
    ps = jax.random.randint(k2, (BATCH,), 0, N_REL)
    os_ = jax.random.randint(k3, (BATCH,), 0, N_ENT)
    # learned parameters, sized per init_kwargs, init uniform(-0.1, 0.1) as in module
    E = jax.random.uniform(k4, (N_ENT, EMBED_DIM), minval=-0.1, maxval=0.1, dtype=jnp.float32)
    R = jax.random.uniform(k5, (N_REL, EMBED_DIM), minval=-0.1, maxval=0.1, dtype=jnp.float32)
    return {"ss": ss, "ps": ps, "os": os_, "E": E, "R": R}


def reference(ss, ps, os, E, R):
    # WeightedHolE._scores: sum(R[ps] * ccorr(E[ss], E[os]), dim=1)
    e_s = jnp.take(E, ss, axis=0)
    e_o = jnp.take(E, os, axis=0)
    r_p = jnp.take(R, ps, axis=0)
    return jnp.sum(r_p * ccorr(e_s, e_o), axis=1)

if __name__ == "__main__":
    import jax
    _d = setup_inputs()
    print(jax.jit(kernel)(*tuple(_d.values())))

</pallas_src>

<mosaic_0001>
#map = affine_map<(d0, d1) -> (0, 0, 0)>
#map1 = affine_map<(d0, d1) -> (0, 0)>
module attributes {stable_mosaic.version = 14 : i64} {
  func.func @_sc_gather(%arg0: i32, %arg1: i32, %arg2: memref<32x4x128xi32, #tpu.memory_space<hbm>>, %arg3: memref<32x4x128xi32, #tpu.memory_space<hbm>>, %arg4: memref<100000x128xf32, #tpu.memory_space<hbm>>, %arg5: memref<16384x128xf32, #tpu.memory_space<hbm>>, %arg6: memref<16384x128xf32, #tpu.memory_space<hbm>>, %arg7: memref<4x128xi32, #tpu.memory_space<vmem>>, %arg8: memref<4x128xi32, #tpu.memory_space<vmem>>, %arg9: memref<128x128xf32, #tpu.memory_space<vmem>>, %arg10: memref<128x128xf32, #tpu.memory_space<vmem>>, %arg11: memref<128x128xf32, #tpu.memory_space<vmem>>, %arg12: memref<!tpu.dma_semaphore, #tpu.memory_space<semaphore_mem>>, %arg13: memref<!tpu.dma_semaphore, #tpu.memory_space<semaphore_mem>>, %arg14: memref<!tpu.dma_semaphore, #tpu.memory_space<semaphore_mem>>, %arg15: memref<!tpu.dma_semaphore, #tpu.memory_space<semaphore_mem>>, %arg16: memref<!tpu.dma_semaphore, #tpu.memory_space<semaphore_mem>>, %arg17: memref<!tpu.dma_semaphore, #tpu.memory_space<semaphore_mem>>) attributes {dimension_semantics = [#tpu.dimension_semantics<core_parallel>, #tpu.dimension_semantics<subcore_parallel>], iteration_bounds = array<i64: 2, 16>, scalar_prefetch = 0 : i64, scratch_operands = 11 : i64, tpu.core_type = #tpu.core_type<sc_vector_subcore>, window_params = [{transform_indices = #map}, {transform_indices = #map}, {transform_indices = #map1}, {transform_indices = #map1}, {transform_indices = #map1}]} {
    %mul3A = arith.constant 2 : i32
    %mul3A_0 = arith.muli %arg1, %mul3A : i32
    %add3A = arith.addi %mul3A_0, %arg0 : i32
    %mul3A_1 = arith.constant 512 : i32
    %mul3A_2 = arith.muli %add3A, %mul3A_1 : i32
    "tpu.region"() ({
      %run_scoped3A = tpu.sem_alloc : memref<!tpu.dma_semaphore, #tpu.memory_space<semaphore_mem>>
      %dma_start3A_209 = arith.constant 0 : i32
      %dma_start3A_210 = arith.constant 0 : i32
      %dma_start3A_211 = tpu.memref_slice %arg2[%add3A, %dma_start3A_209, %dma_start3A_210] : memref<32x4x128xi32, #tpu.memory_space<hbm>> -> memref<1x4x128xi32, #tpu.memory_space<hbm>>
      %dma_start3A_212 = tpu.memref_squeeze %dma_start3A_211 : memref<1x4x128xi32, #tpu.memory_space<hbm>> -> memref<4x128xi32, #tpu.memory_space<hbm>>
      %dma_start3A_213 = arith.constant 0 : i32
      %dma_start3A_214 = arith.constant 0 : i32
      %dma_start3A_215 = tpu.memref_slice %arg2[%add3A, %dma_start3A_213, %dma_start3A_214] : memref<32x4x128xi32, #tpu.memory_space<hbm>> -> memref<1x4x128xi32, #tpu.memory_space<hbm>>
      %dma_start3A_216 = tpu.memref_squeeze %dma_start3A_215 : memref<1x4x128xi32, #tpu.memory_space<hbm>> -> memref<4x128xi32, #tpu.memory_space<hbm>>
      tpu.enqueue_dma source(%dma_start3A_216 : memref<4x128xi32, #tpu.memory_space<hbm>>) target(%arg7 : memref<4x128xi32, #tpu.memory_space<vmem>>) target_semaphore(%run_scoped3A : memref<!tpu.dma_semaphore, #tpu.memory_space<semaphore_mem>>)
      %dma_wait3A_217 = arith.constant 0 : i32
      %dma_wait3A_218 = arith.constant 0 : i32
      %dma_wait3A_219 = tpu.memref_slice %arg2[%add3A, %dma_wait3A_217, %dma_wait3A_218] : memref<32x4x128xi32, #tpu.memory_space<hbm>> -> memref<1x4x128xi32, #tpu.memory_space<hbm>>
      %dma_wait3A_220 = tpu.memref_squeeze %dma_wait3A_219 : memref<1x4x128xi32, #tpu.memory_space<hbm>> -> memref<4x128xi32, #tpu.memory_space<hbm>>
      %dma_wait3A_221 = arith.constant 0 : i32
      %dma_wait3A_222 = arith.constant 0 : i32
      %dma_wait3A_223 = tpu.memref_slice %arg2[%add3A, %dma_wait3A_221, %dma_wait3A_222] : memref<32x4x128xi32, #tpu.memory_space<hbm>> -> memref<1x4x128xi32, #tpu.memory_space<hbm>>
      %dma_wait3A_224 = tpu.memref_squeeze %dma_wait3A_223 : memref<1x4x128xi32, #tpu.memory_space<hbm>> -> memref<4x128xi32, #tpu.memory_space<hbm>>
      tpu.wait_dma2 semaphore(%run_scoped3A : memref<!tpu.dma_semaphore, #tpu.memory_space<semaphore_mem>>) src(%dma_wait3A_224 : memref<4x128xi32, #tpu.memory_space<hbm>>) dst(%arg7 : memref<4x128xi32, #tpu.memory_space<vmem>>)
      tpu.yield
    }) : () -> ()
    "tpu.region"() ({
      %run_scoped3A = tpu.sem_alloc : memref<!tpu.dma_semaphore, #tpu.memory_space<semaphore_mem>>
      %dma_start3A_209 = arith.constant 0 : i32
      %dma_start3A_210 = arith.constant 0 : i32
      %dma_start3A_211 = tpu.memref_slice %arg3[%add3A, %dma_start3A_209, %dma_start3A_210] : memref<32x4x128xi32, #tpu.memory_space<hbm>> -> memref<1x4x128xi32, #tpu.memory_space<hbm>>
      %dma_start3A_212 = tpu.memref_squeeze %dma_start3A_211 : memref<1x4x128xi32, #tpu.memory_space<hbm>> -> memref<4x128xi32, #tpu.memory_space<hbm>>
      %dma_start3A_213 = arith.constant 0 : i32
      %dma_start3A_214 = arith.constant 0 : i32
      %dma_start3A_215 = tpu.memref_slice %arg3[%add3A, %dma_start3A_213, %dma_start3A_214] : memref<32x4x128xi32, #tpu.memory_space<hbm>> -> memref<1x4x128xi32, #tpu.memory_space<hbm>>
      %dma_start3A_216 = tpu.memref_squeeze %dma_start3A_215 : memref<1x4x128xi32, #tpu.memory_space<hbm>> -> memref<4x128xi32, #tpu.memory_space<hbm>>
      tpu.enqueue_dma source(%dma_start3A_216 : memref<4x128xi32, #tpu.memory_space<hbm>>) target(%arg8 : memref<4x128xi32, #tpu.memory_space<vmem>>) target_semaphore(%run_scoped3A : memref<!tpu.dma_semaphore, #tpu.memory_space<semaphore_mem>>)
      %dma_wait3A_217 = arith.constant 0 : i32
      %dma_wait3A_218 = arith.constant 0 : i32
      %dma_wait3A_219 = tpu.memref_slice %arg3[%add3A, %dma_wait3A_217, %dma_wait3A_218] : memref<32x4x128xi32, #tpu.memory_space<hbm>> -> memref<1x4x128xi32, #tpu.memory_space<hbm>>
      %dma_wait3A_220 = tpu.memref_squeeze %dma_wait3A_219 : memref<1x4x128xi32, #tpu.memory_space<hbm>> -> memref<4x128xi32, #tpu.memory_space<hbm>>
      %dma_wait3A_221 = arith.constant 0 : i32
      %dma_wait3A_222 = arith.constant 0 : i32
      %dma_wait3A_223 = tpu.memref_slice %arg3[%add3A, %dma_wait3A_221, %dma_wait3A_222] : memref<32x4x128xi32, #tpu.memory_space<hbm>> -> memref<1x4x128xi32, #tpu.memory_space<hbm>>
      %dma_wait3A_224 = tpu.memref_squeeze %dma_wait3A_223 : memref<1x4x128xi32, #tpu.memory_space<hbm>> -> memref<4x128xi32, #tpu.memory_space<hbm>>
      tpu.wait_dma2 semaphore(%run_scoped3A : memref<!tpu.dma_semaphore, #tpu.memory_space<semaphore_mem>>) src(%dma_wait3A_224 : memref<4x128xi32, #tpu.memory_space<hbm>>) dst(%arg8 : memref<4x128xi32, #tpu.memory_space<vmem>>)
      tpu.yield
    }) : () -> ()
    %add3A_3 = arith.constant 0 : i32
    %add3A_4 = arith.addi %mul3A_2, %add3A_3 : i32
    %dma_start3A = arith.constant 0 : i32
    %dma_start3A_5 = arith.constant 0 : i32
    %dma_start3A_6 = tpu.memref_slice %arg7[%dma_start3A, %dma_start3A_5] : memref<4x128xi32, #tpu.memory_space<vmem>> -> memref<1x128xi32, #tpu.memory_space<vmem>>
    %dma_start3A_7 = tpu.memref_squeeze %dma_start3A_6 : memref<1x128xi32, #tpu.memory_space<vmem>> -> memref<128xi32, #tpu.memory_space<vmem>>
    %dma_start3A_8 = arith.constant 0 : i32
    %dma_start3A_9 = arith.constant 0 : i32
    %dma_start3A_10 = tpu.memref_slice %arg4[%dma_start3A_8, %dma_start3A_9] : memref<100000x128xf32, #tpu.memory_space<hbm>> -> memref<100000x128xf32, #tpu.memory_space<hbm>>
    tpu.enqueue_indirect_dma source(%dma_start3A_10 : memref<100000x128xf32, #tpu.memory_space<hbm>>) target(%arg9 : memref<128x128xf32, #tpu.memory_space<vmem>>) offsets(%dma_start3A_7 : memref<128xi32, #tpu.memory_space<vmem>>) semaphore(%arg12 : memref<!tpu.dma_semaphore, #tpu.memory_space<semaphore_mem>>)
    %add3A_11 = arith.constant 128 : i32
    %add3A_12 = arith.addi %mul3A_2, %add3A_11 : i32
    %dma_start3A_13 = arith.constant 1 : i32
    %dma_start3A_14 = arith.constant 0 : i32
    %dma_start3A_15 = tpu.memref_slice %arg7[%dma_start3A_13, %dma_start3A_14] : memref<4x128xi32, #tpu.memory_space<vmem>> -> memref<1x128xi32, #tpu.memory_space<vmem>>
    %dma_start3A_16 = tpu.memref_squeeze %dma_start3A_15 : memref<1x128xi32, #tpu.memory_space<vmem>> -> memref<128xi32, #tpu.memory_space<vmem>>
    %dma_start3A_17 = arith.constant 0 : i32
    %dma_start3A_18 = arith.constant 0 : i32
    %dma_start3A_19 = tpu.memref_slice %arg4[%dma_start3A_17, %dma_start3A_18] : memref<100000x128xf32, #tpu.memory_space<hbm>> -> memref<100000x128xf32, #tpu.memory_space<hbm>>
    tpu.enqueue_indirect_dma source(%dma_start3A_19 : memref<100000x128xf32, #tpu.memory_space<hbm>>) target(%arg10 : memref<128x128xf32, #tpu.memory_space<vmem>>) offsets(%dma_start3A_16 : memref<128xi32, #tpu.memory_space<vmem>>) semaphore(%arg13 : memref<!tpu.dma_semaphore, #tpu.memory_space<semaphore_mem>>)
    %dma_wait3A = arith.constant 0 : i32
    %dma_wait3A_20 = arith.constant 0 : i32
    %dma_wait3A_21 = tpu.memref_slice %arg7[%dma_wait3A, %dma_wait3A_20] : memref<4x128xi32, #tpu.memory_space<vmem>> -> memref<1x128xi32, #tpu.memory_space<vmem>>
    %dma_wait3A_22 = tpu.memref_squeeze %dma_wait3A_21 : memref<1x128xi32, #tpu.memory_space<vmem>> -> memref<128xi32, #tpu.memory_space<vmem>>
    %dma_wait3A_23 = arith.constant 0 : i32
    %dma_wait3A_24 = arith.constant 0 : i32
    %dma_wait3A_25 = tpu.memref_slice %arg4[%dma_wait3A_23, %dma_wait3A_24] : memref<100000x128xf32, #tpu.memory_space<hbm>> -> memref<100000x128xf32, #tpu.memory_space<hbm>>
    tpu.wait_indirect_dma semaphore(%arg12 : memref<!tpu.dma_semaphore, #tpu.memory_space<semaphore_mem>>) src(%dma_wait3A_25 : memref<100000x128xf32, #tpu.memory_space<hbm>>) dst(%arg9 : memref<128x128xf32, #tpu.memory_space<vmem>>)
    %add3A_26 = arith.constant 0 : i32
    %add3A_27 = arith.addi %mul3A_2, %add3A_26 : i32
    %dma_start3A_28 = arith.constant 0 : i32
    %dma_start3A_29 = tpu.memref_slice %arg5[%add3A_27, %dma_start3A_28] : memref<16384x128xf32, #tpu.memory_space<hbm>> -> memref<128x128xf32, #tpu.memory_space<hbm>>
    %dma_start3A_30 = arith.constant 0 : i32
    %dma_start3A_31 = tpu.memref_slice %arg5[%add3A_27, %dma_start3A_30] : memref<16384x128xf32, #tpu.memory_space<hbm>> -> memref<128x128xf32, #tpu.memory_space<hbm>>
    tpu.enqueue_dma source(%arg9 : memref<128x128xf32, #tpu.memory_space<vmem>>) target(%dma_start3A_31 : memref<128x128xf32, #tpu.memory_space<hbm>>) target_semaphore(%arg15 : memref<!tpu.dma_semaphore, #tpu.memory_space<semaphore_mem>>)
    %add3A_32 = arith.constant 256 : i32
    %add3A_33 = arith.addi %mul3A_2, %add3A_32 : i32
    %dma_start3A_34 = arith.constant 2 : i32
    %dma_start3A_35 = arith.constant 0 : i32
    %dma_start3A_36 = tpu.memref_slice %arg7[%dma_start3A_34, %dma_start3A_35] : memref<4x128xi32, #tpu.memory_space<vmem>> -> memref<1x128xi32, #tpu.memory_space<vmem>>
    %dma_start3A_37 = tpu.memref_squeeze %dma_start3A_36 : memref<1x128xi32, #tpu.memory_space<vmem>> -> memref<128xi32, #tpu.memory_space<vmem>>
    %dma_start3A_38 = arith.constant 0 : i32
    %dma_start3A_39 = arith.constant 0 : i32
    %dma_start3A_40 = tpu.memref_slice %arg4[%dma_start3A_38, %dma_start3A_39] : memref<100000x128xf32, #tpu.memory_space<hbm>> -> memref<100000x128xf32, #tpu.memory_space<hbm>>
    tpu.enqueue_indirect_dma source(%dma_start3A_40 : memref<100000x128xf32, #tpu.memory_space<hbm>>) target(%arg11 : memref<128x128xf32, #tpu.memory_space<vmem>>) offsets(%dma_start3A_37 : memref<128xi32, #tpu.memory_space<vmem>>) semaphore(%arg14 : memref<!tpu.dma_semaphore, #tpu.memory_space<semaphore_mem>>)
    %dma_wait3A_41 = arith.constant 1 : i32
    %dma_wait3A_42 = arith.constant 0 : i32
    %dma_wait3A_43 = tpu.memref_slice %arg7[%dma_wait3A_41, %dma_wait3A_42] : memref<4x128xi32, #tpu.memory_space<vmem>> -> memref<1x128xi32, #tpu.memory_space<vmem>>
    %dma_wait3A_44 = tpu.memref_squeeze %dma_wait3A_43 : memref<1x128xi32, #tpu.memory_space<vmem>> -> memref<128xi32, #tpu.memory_space<vmem>>
    %dma_wait3A_45 = arith.constant 0 : i32
    %dma_wait3A_46 = arith.constant 0 : i32
    %dma_wait3A_47 = tpu.memref_slice %arg4[%dma_wait3A_45, %dma_wait3A_46] : memref<100000x128xf32, #tpu.memory_space<hbm>> -> memref<100000x128xf32, #tpu.memory_space<hbm>>
    tpu.wait_indirect_dma semaphore(%arg13 : memref<!tpu.dma_semaphore, #tpu.memory_space<semaphore_mem>>) src(%dma_wait3A_47 : memref<100000x128xf32, #tpu.memory_space<hbm>>) dst(%arg10 : memref<128x128xf32, #tpu.memory_space<vmem>>)
    %add3A_48 = arith.constant 128 : i32
    %add3A_49 = arith.addi %mul3A_2, %add3A_48 : i32
    %dma_start3A_50 = arith.constant 0 : i32
    %dma_start3A_51 = tpu.memref_slice %arg5[%add3A_49, %dma_start3A_50] : memref<16384x128xf32, #tpu.memory_space<hbm>> -> memref<128x128xf32, #tpu.memory_space<hbm>>
    %dma_start3A_52 = arith.constant 0 : i32
    %dma_start3A_53 = tpu.memref_slice %arg5[%add3A_49, %dma_start3A_52] : memref<16384x128xf32, #tpu.memory_space<hbm>> -> memref<128x128xf32, #tpu.memory_space<hbm>>
    tpu.enqueue_dma source(%arg10 : memref<128x128xf32, #tpu.memory_space<vmem>>) target(%dma_start3A_53 : memref<128x128xf32, #tpu.memory_space<hbm>>) target_semaphore(%arg16 : memref<!tpu.dma_semaphore, #tpu.memory_space<semaphore_mem>>)
    %dma_wait3A_54 = arith.constant 0 : i32
    %dma_wait3A_55 = tpu.memref_slice %arg5[%add3A_27, %dma_wait3A_54] : memref<16384x128xf32, #tpu.memory_space<hbm>> -> memref<128x128xf32, #tpu.memory_space<hbm>>
    %dma_wait3A_56 = arith.constant 0 : i32
    %dma_wait3A_57 = tpu.memref_slice %arg5[%add3A_27, %dma_wait3A_56] : memref<16384x128xf32, #tpu.memory_space<hbm>> -> memref<128x128xf32, #tpu.memory_space<hbm>>
    tpu.wait_dma2 semaphore(%arg15 : memref<!tpu.dma_semaphore, #tpu.memory_space<semaphore_mem>>) src(%arg9 : memref<128x128xf32, #tpu.memory_space<vmem>>) dst(%dma_wait3A_57 : memref<128x128xf32, #tpu.memory_space<hbm>>)
    %add3A_58 = arith.constant 384 : i32
    %add3A_59 = arith.addi %mul3A_2, %add3A_58 : i32
    %dma_start3A_60 = arith.constant 3 : i32
    %dma_start3A_61 = arith.constant 0 : i32
    %dma_start3A_62 = tpu.memref_slice %arg7[%dma_start3A_60, %dma_start3A_61] : memref<4x128xi32, #tpu.memory_space<vmem>> -> memref<1x128xi32, #tpu.memory_space<vmem>>
    %dma_start3A_63 = tpu.memref_squeeze %dma_start3A_62 : memref<1x128xi32, #tpu.memory_space<vmem>> -> memref<128xi32, #tpu.memory_space<vmem>>
    %dma_start3A_64 = arith.constant 0 : i32
    %dma_start3A_65 = arith.constant 0 : i32
    %dma_start3A_66 = tpu.memref_slice %arg4[%dma_start3A_64, %dma_start3A_65] : memref<100000x128xf32, #tpu.memory_space<hbm>> -> memref<100000x128xf32, #tpu.memory_space<hbm>>
    tpu.enqueue_indirect_dma source(%dma_start3A_66 : memref<100000x128xf32, #tpu.memory_space<hbm>>) target(%arg9 : memref<128x128xf32, #tpu.memory_space<vmem>>) offsets(%dma_start3A_63 : memref<128xi32, #tpu.memory_space<vmem>>) semaphore(%arg12 : memref<!tpu.dma_semaphore, #tpu.memory_space<semaphore_mem>>)
    %dma_wait3A_67 = arith.constant 2 : i32
    %dma_wait3A_68 = arith.constant 0 : i32
    %dma_wait3A_69 = tpu.memref_slice %arg7[%dma_wait3A_67, %dma_wait3A_68] : memref<4x128xi32, #tpu.memory_space<vmem>> -> memref<1x128xi32, #tpu.memory_space<vmem>>
    %dma_wait3A_70 = tpu.memref_squeeze %dma_wait3A_69 : memref<1x128xi32, #tpu.memory_space<vmem>> -> memref<128xi32, #tpu.memory_space<vmem>>
    %dma_wait3A_71 = arith.constant 0 : i32
    %dma_wait3A_72 = arith.constant 0 : i32
    %dma_wait3A_73 = tpu.memref_slice %arg4[%dma_wait3A_71, %dma_wait3A_72] : memref<100000x128xf32, #tpu.memory_space<hbm>> -> memref<100000x128xf32, #tpu.memory_space<hbm>>
    tpu.wait_indirect_dma semaphore(%arg14 : memref<!tpu.dma_semaphore, #tpu.memory_space<semaphore_mem>>) src(%dma_wait3A_73 : memref<100000x128xf32, #tpu.memory_space<hbm>>) dst(%arg11 : memref<128x128xf32, #tpu.memory_space<vmem>>)
    %add3A_74 = arith.constant 256 : i32
    %add3A_75 = arith.addi %mul3A_2, %add3A_74 : i32
    %dma_start3A_76 = arith.constant 0 : i32
    %dma_start3A_77 = tpu.memref_slice %arg5[%add3A_75, %dma_start3A_76] : memref<16384x128xf32, #tpu.memory_space<hbm>> -> memref<128x128xf32, #tpu.memory_space<hbm>>
    %dma_start3A_78 = arith.constant 0 : i32
    %dma_start3A_79 = tpu.memref_slice %arg5[%add3A_75, %dma_start3A_78] : memref<16384x128xf32, #tpu.memory_space<hbm>> -> memref<128x128xf32, #tpu.memory_space<hbm>>
    tpu.enqueue_dma source(%arg11 : memref<128x128xf32, #tpu.memory_space<vmem>>) target(%dma_start3A_79 : memref<128x128xf32, #tpu.memory_space<hbm>>) target_semaphore(%arg17 : memref<!tpu.dma_semaphore, #tpu.memory_space<semaphore_mem>>)
    %dma_wait3A_80 = arith.constant 0 : i32
    %dma_wait3A_81 = tpu.memref_slice %arg5[%add3A_49, %dma_wait3A_80] : memref<16384x128xf32, #tpu.memory_space<hbm>> -> memref<128x128xf32, #tpu.memory_space<hbm>>
    %dma_wait3A_82 = arith.constant 0 : i32
    %dma_wait3A_83 = tpu.memref_slice %arg5[%add3A_49, %dma_wait3A_82] : memref<16384x128xf32, #tpu.memory_space<hbm>> -> memref<128x128xf32, #tpu.memory_space<hbm>>
    tpu.wait_dma2 semaphore(%arg16 : memref<!tpu.dma_semaphore, #tpu.memory_space<semaphore_mem>>) src(%arg10 : memref<128x128xf32, #tpu.memory_space<vmem>>) dst(%dma_wait3A_83 : memref<128x128xf32, #tpu.memory_space<hbm>>)
    %add3A_84 = arith.constant 0 : i32
    %add3A_85 = arith.addi %mul3A_2, %add3A_84 : i32
    %dma_start3A_86 = arith.constant 0 : i32
    %dma_start3A_87 = arith.constant 0 : i32
    %dma_start3A_88 = tpu.memref_slice %arg8[%dma_start3A_86, %dma_start3A_87] : memref<4x128xi32, #tpu.memory_space<vmem>> -> memref<1x128xi32, #tpu.memory_space<vmem>>
    %dma_start3A_89 = tpu.memref_squeeze %dma_start3A_88 : memref<1x128xi32, #tpu.memory_space<vmem>> -> memref<128xi32, #tpu.memory_space<vmem>>
    %dma_start3A_90 = arith.constant 0 : i32
    %dma_start3A_91 = arith.constant 0 : i32
    %dma_start3A_92 = tpu.memref_slice %arg4[%dma_start3A_90, %dma_start3A_91] : memref<100000x128xf32, #tpu.memory_space<hbm>> -> memref<100000x128xf32, #tpu.memory_space<hbm>>
    tpu.enqueue_indirect_dma source(%dma_start3A_92 : memref<100000x128xf32, #tpu.memory_space<hbm>>) target(%arg10 : memref<128x128xf32, #tpu.memory_space<vmem>>) offsets(%dma_start3A_89 : memref<128xi32, #tpu.memory_space<vmem>>) semaphore(%arg13 : memref<!tpu.dma_semaphore, #tpu.memory_space<semaphore_mem>>)
    %dma_wait3A_93 = arith.constant 3 : i32
    %dma_wait3A_94 = arith.constant 0 : i32
    %dma_wait3A_95 = tpu.memref_slice %arg7[%dma_wait3A_93, %dma_wait3A_94] : memref<4x128xi32, #tpu.memory_space<vmem>> -> memref<1x128xi32, #tpu.memory_space<vmem>>
    %dma_wait3A_96 = tpu.memref_squeeze %dma_wait3A_95 : memref<1x128xi32, #tpu.memory_space<vmem>> -> memref<128xi32, #tpu.memory_space<vmem>>
    %dma_wait3A_97 = arith.constant 0 : i32
    %dma_wait3A_98 = arith.constant 0 : i32
    %dma_wait3A_99 = tpu.memref_slice %arg4[%dma_wait3A_97, %dma_wait3A_98] : memref<100000x128xf32, #tpu.memory_space<hbm>> -> memref<100000x128xf32, #tpu.memory_space<hbm>>
    tpu.wait_indirect_dma semaphore(%arg12 : memref<!tpu.dma_semaphore, #tpu.memory_space<semaphore_mem>>) src(%dma_wait3A_99 : memref<100000x128xf32, #tpu.memory_space<hbm>>) dst(%arg9 : memref<128x128xf32, #tpu.memory_space<vmem>>)
    %add3A_100 = arith.constant 384 : i32
    %add3A_101 = arith.addi %mul3A_2, %add3A_100 : i32
    %dma_start3A_102 = arith.constant 0 : i32
    %dma_start3A_103 = tpu.memref_slice %arg5[%add3A_101, %dma_start3A_102] : memref<16384x128xf32, #tpu.memory_space<hbm>> -> memref<128x128xf32, #tpu.memory_space<hbm>>
    %dma_start3A_104 = arith.constant 0 : i32
    %dma_start3A_105 = tpu.memref_slice %arg5[%add3A_101, %dma_start3A_104] : memref<16384x128xf32, #tpu.memory_space<hbm>> -> memref<128x128xf32, #tpu.memory_space<hbm>>
    tpu.enqueue_dma source(%arg9 : memref<128x128xf32, #tpu.memory_space<vmem>>) target(%dma_start3A_105 : memref<128x128xf32, #tpu.memory_space<hbm>>) target_semaphore(%arg15 : memref<!tpu.dma_semaphore, #tpu.memory_space<semaphore_mem>>)
    %dma_wait3A_106 = arith.constant 0 : i32
    %dma_wait3A_107 = tpu.memref_slice %arg5[%add3A_75, %dma_wait3A_106] : memref<16384x128xf32, #tpu.memory_space<hbm>> -> memref<128x128xf32, #tpu.memory_space<hbm>>
    %dma_wait3A_108 = arith.constant 0 : i32
    %dma_wait3A_109 = tpu.memref_slice %arg5[%add3A_75, %dma_wait3A_108] : memref<16384x128xf32, #tpu.memory_space<hbm>> -> memref<128x128xf32, #tpu.memory_space<hbm>>
    tpu.wait_dma2 semaphore(%arg17 : memref<!tpu.dma_semaphore, #tpu.memory_space<semaphore_mem>>) src(%arg11 : memref<128x128xf32, #tpu.memory_space<vmem>>) dst(%dma_wait3A_109 : memref<128x128xf32, #tpu.memory_space<hbm>>)
    %add3A_110 = arith.constant 128 : i32
    %add3A_111 = arith.addi %mul3A_2, %add3A_110 : i32
    %dma_start3A_112 = arith.constant 1 : i32
    %dma_start3A_113 = arith.constant 0 : i32
    %dma_start3A_114 = tpu.memref_slice %arg8[%dma_start3A_112, %dma_start3A_113] : memref<4x128xi32, #tpu.memory_space<vmem>> -> memref<1x128xi32, #tpu.memory_space<vmem>>
    %dma_start3A_115 = tpu.memref_squeeze %dma_start3A_114 : memref<1x128xi32, #tpu.memory_space<vmem>> -> memref<128xi32, #tpu.memory_space<vmem>>
    %dma_start3A_116 = arith.constant 0 : i32
    %dma_start3A_117 = arith.constant 0 : i32
    %dma_start3A_118 = tpu.memref_slice %arg4[%dma_start3A_116, %dma_start3A_117] : memref<100000x128xf32, #tpu.memory_space<hbm>> -> memref<100000x128xf32, #tpu.memory_space<hbm>>
    tpu.enqueue_indirect_dma source(%dma_start3A_118 : memref<100000x128xf32, #tpu.memory_space<hbm>>) target(%arg11 : memref<128x128xf32, #tpu.memory_space<vmem>>) offsets(%dma_start3A_115 : memref<128xi32, #tpu.memory_space<vmem>>) semaphore(%arg14 : memref<!tpu.dma_semaphore, #tpu.memory_space<semaphore_mem>>)
    %dma_wait3A_119 = arith.constant 0 : i32
    %dma_wait3A_120 = arith.constant 0 : i32
    %dma_wait3A_121 = tpu.memref_slice %arg8[%dma_wait3A_119, %dma_wait3A_120] : memref<4x128xi32, #tpu.memory_space<vmem>> -> memref<1x128xi32, #tpu.memory_space<vmem>>
    %dma_wait3A_122 = tpu.memref_squeeze %dma_wait3A_121 : memref<1x128xi32, #tpu.memory_space<vmem>> -> memref<128xi32, #tpu.memory_space<vmem>>
    %dma_wait3A_123 = arith.constant 0 : i32
    %dma_wait3A_124 = arith.constant 0 : i32
    %dma_wait3A_125 = tpu.memref_slice %arg4[%dma_wait3A_123, %dma_wait3A_124] : memref<100000x128xf32, #tpu.memory_space<hbm>> -> memref<100000x128xf32, #tpu.memory_space<hbm>>
    tpu.wait_indirect_dma semaphore(%arg13 : memref<!tpu.dma_semaphore, #tpu.memory_space<semaphore_mem>>) src(%dma_wait3A_125 : memref<100000x128xf32, #tpu.memory_space<hbm>>) dst(%arg10 : memref<128x128xf32, #tpu.memory_space<vmem>>)
    %add3A_126 = arith.constant 0 : i32
    %add3A_127 = arith.addi %mul3A_2, %add3A_126 : i32
    %dma_start3A_128 = arith.constant 0 : i32
    %dma_start3A_129 = tpu.memref_slice %arg6[%add3A_127, %dma_start3A_128] : memref<16384x128xf32, #tpu.memory_space<hbm>> -> memref<128x128xf32, #tpu.memory_space<hbm>>
    %dma_start3A_130 = arith.constant 0 : i32
    %dma_start3A_131 = tpu.memref_slice %arg6[%add3A_127, %dma_start3A_130] : memref<16384x128xf32, #tpu.memory_space<hbm>> -> memref<128x128xf32, #tpu.memory_space<hbm>>
    tpu.enqueue_dma source(%arg10 : memref<128x128xf32, #tpu.memory_space<vmem>>) target(%dma_start3A_131 : memref<128x128xf32, #tpu.memory_space<hbm>>) target_semaphore(%arg16 : memref<!tpu.dma_semaphore, #tpu.memory_space<semaphore_mem>>)
    %dma_wait3A_132 = arith.constant 0 : i32
    %dma_wait3A_133 = tpu.memref_slice %arg5[%add3A_101, %dma_wait3A_132] : memref<16384x128xf32, #tpu.memory_space<hbm>> -> memref<128x128xf32, #tpu.memory_space<hbm>>
    %dma_wait3A_134 = arith.constant 0 : i32
    %dma_wait3A_135 = tpu.memref_slice %arg5[%add3A_101, %dma_wait3A_134] : memref<16384x128xf32, #tpu.memory_space<hbm>> -> memref<128x128xf32, #tpu.memory_space<hbm>>
    tpu.wait_dma2 semaphore(%arg15 : memref<!tpu.dma_semaphore, #tpu.memory_space<semaphore_mem>>) src(%arg9 : memref<128x128xf32, #tpu.memory_space<vmem>>) dst(%dma_wait3A_135 : memref<128x128xf32, #tpu.memory_space<hbm>>)
    %add3A_136 = arith.constant 256 : i32
    %add3A_137 = arith.addi %mul3A_2, %add3A_136 : i32
    %dma_start3A_138 = arith.constant 2 : i32
    %dma_start3A_139 = arith.constant 0 : i32
    %dma_start3A_140 = tpu.memref_slice %arg8[%dma_start3A_138, %dma_start3A_139] : memref<4x128xi32, #tpu.memory_space<vmem>> -> memref<1x128xi32, #tpu.memory_space<vmem>>
    %dma_start3A_141 = tpu.memref_squeeze %dma_start3A_140 : memref<1x128xi32, #tpu.memory_space<vmem>> -> memref<128xi32, #tpu.memory_space<vmem>>
    %dma_start3A_142 = arith.constant 0 : i32
    %dma_start3A_143 = arith.constant 0 : i32
    %dma_start3A_144 = tpu.memref_slice %arg4[%dma_start3A_142, %dma_start3A_143] : memref<100000x128xf32, #tpu.memory_space<hbm>> -> memref<100000x128xf32, #tpu.memory_space<hbm>>
    tpu.enqueue_indirect_dma source(%dma_start3A_144 : memref<100000x128xf32, #tpu.memory_space<hbm>>) target(%arg9 : memref<128x128xf32, #tpu.memory_space<vmem>>) offsets(%dma_start3A_141 : memref<128xi32, #tpu.memory_space<vmem>>) semaphore(%arg12 : memref<!tpu.dma_semaphore, #tpu.memory_space<semaphore_mem>>)
    %dma_wait3A_145 = arith.constant 1 : i32
    %dma_wait3A_146 = arith.constant 0 : i32
    %dma_wait3A_147 = tpu.memref_slice %arg8[%dma_wait3A_145, %dma_wait3A_146] : memref<4x128xi32, #tpu.memory_space<vmem>> -> memref<1x128xi32, #tpu.memory_space<vmem>>
    %dma_wait3A_148 = tpu.memref_squeeze %dma_wait3A_147 : memref<1x128xi32, #tpu.memory_space<vmem>> -> memref<128xi32, #tpu.memory_space<vmem>>
    %dma_wait3A_149 = arith.constant 0 : i32
    %dma_wait3A_150 = arith.constant 0 : i32
    %dma_wait3A_151 = tpu.memref_slice %arg4[%dma_wait3A_149, %dma_wait3A_150] : memref<100000x128xf32, #tpu.memory_space<hbm>> -> memref<100000x128xf32, #tpu.memory_space<hbm>>
    tpu.wait_indirect_dma semaphore(%arg14 : memref<!tpu.dma_semaphore, #tpu.memory_space<semaphore_mem>>) src(%dma_wait3A_151 : memref<100000x128xf32, #tpu.memory_space<hbm>>) dst(%arg11 : memref<128x128xf32, #tpu.memory_space<vmem>>)
    %add3A_152 = arith.constant 128 : i32
    %add3A_153 = arith.addi %mul3A_2, %add3A_152 : i32
    %dma_start3A_154 = arith.constant 0 : i32
    %dma_start3A_155 = tpu.memref_slice %arg6[%add3A_153, %dma_start3A_154] : memref<16384x128xf32, #tpu.memory_space<hbm>> -> memref<128x128xf32, #tpu.memory_space<hbm>>
    %dma_start3A_156 = arith.constant 0 : i32
    %dma_start3A_157 = tpu.memref_slice %arg6[%add3A_153, %dma_start3A_156] : memref<16384x128xf32, #tpu.memory_space<hbm>> -> memref<128x128xf32, #tpu.memory_space<hbm>>
    tpu.enqueue_dma source(%arg11 : memref<128x128xf32, #tpu.memory_space<vmem>>) target(%dma_start3A_157 : memref<128x128xf32, #tpu.memory_space<hbm>>) target_semaphore(%arg17 : memref<!tpu.dma_semaphore, #tpu.memory_space<semaphore_mem>>)
    %dma_wait3A_158 = arith.constant 0 : i32
    %dma_wait3A_159 = tpu.memref_slice %arg6[%add3A_127, %dma_wait3A_158] : memref<16384x128xf32, #tpu.memory_space<hbm>> -> memref<128x128xf32, #tpu.memory_space<hbm>>
    %dma_wait3A_160 = arith.constant 0 : i32
    %dma_wait3A_161 = tpu.memref_slice %arg6[%add3A_127, %dma_wait3A_160] : memref<16384x128xf32, #tpu.memory_space<hbm>> -> memref<128x128xf32, #tpu.memory_space<hbm>>
    tpu.wait_dma2 semaphore(%arg16 : memref<!tpu.dma_semaphore, #tpu.memory_space<semaphore_mem>>) src(%arg10 : memref<128x128xf32, #tpu.memory_space<vmem>>) dst(%dma_wait3A_161 : memref<128x128xf32, #tpu.memory_space<hbm>>)
    %add3A_162 = arith.constant 384 : i32
    %add3A_163 = arith.addi %mul3A_2, %add3A_162 : i32
    %dma_start3A_164 = arith.constant 3 : i32
    %dma_start3A_165 = arith.constant 0 : i32
    %dma_start3A_166 = tpu.memref_slice %arg8[%dma_start3A_164, %dma_start3A_165] : memref<4x128xi32, #tpu.memory_space<vmem>> -> memref<1x128xi32, #tpu.memory_space<vmem>>
    %dma_start3A_167 = tpu.memref_squeeze %dma_start3A_166 : memref<1x128xi32, #tpu.memory_space<vmem>> -> memref<128xi32, #tpu.memory_space<vmem>>
    %dma_start3A_168 = arith.constant 0 : i32
    %dma_start3A_169 = arith.constant 0 : i32
    %dma_start3A_170 = tpu.memref_slice %arg4[%dma_start3A_168, %dma_start3A_169] : memref<100000x128xf32, #tpu.memory_space<hbm>> -> memref<100000x128xf32, #tpu.memory_space<hbm>>
    tpu.enqueue_indirect_dma source(%dma_start3A_170 : memref<100000x128xf32, #tpu.memory_space<hbm>>) target(%arg10 : memref<128x128xf32, #tpu.memory_space<vmem>>) offsets(%dma_start3A_167 : memref<128xi32, #tpu.memory_space<vmem>>) semaphore(%arg13 : memref<!tpu.dma_semaphore, #tpu.memory_space<semaphore_mem>>)
    %dma_wait3A_171 = arith.constant 2 : i32
    %dma_wait3A_172 = arith.constant 0 : i32
    %dma_wait3A_173 = tpu.memref_slice %arg8[%dma_wait3A_171, %dma_wait3A_172] : memref<4x128xi32, #tpu.memory_space<vmem>> -> memref<1x128xi32, #tpu.memory_space<vmem>>
    %dma_wait3A_174 = tpu.memref_squeeze %dma_wait3A_173 : memref<1x128xi32, #tpu.memory_space<vmem>> -> memref<128xi32, #tpu.memory_space<vmem>>
    %dma_wait3A_175 = arith.constant 0 : i32
    %dma_wait3A_176 = arith.constant 0 : i32
    %dma_wait3A_177 = tpu.memref_slice %arg4[%dma_wait3A_175, %dma_wait3A_176] : memref<100000x128xf32, #tpu.memory_space<hbm>> -> memref<100000x128xf32, #tpu.memory_space<hbm>>
    tpu.wait_indirect_dma semaphore(%arg12 : memref<!tpu.dma_semaphore, #tpu.memory_space<semaphore_mem>>) src(%dma_wait3A_177 : memref<100000x128xf32, #tpu.memory_space<hbm>>) dst(%arg9 : memref<128x128xf32, #tpu.memory_space<vmem>>)
    %add3A_178 = arith.constant 256 : i32
    %add3A_179 = arith.addi %mul3A_2, %add3A_178 : i32
    %dma_start3A_180 = arith.constant 0 : i32
    %dma_start3A_181 = tpu.memref_slice %arg6[%add3A_179, %dma_start3A_180] : memref<16384x128xf32, #tpu.memory_space<hbm>> -> memref<128x128xf32, #tpu.memory_space<hbm>>
    %dma_start3A_182 = arith.constant 0 : i32
    %dma_start3A_183 = tpu.memref_slice %arg6[%add3A_179, %dma_start3A_182] : memref<16384x128xf32, #tpu.memory_space<hbm>> -> memref<128x128xf32, #tpu.memory_space<hbm>>
    tpu.enqueue_dma source(%arg9 : memref<128x128xf32, #tpu.memory_space<vmem>>) target(%dma_start3A_183 : memref<128x128xf32, #tpu.memory_space<hbm>>) target_semaphore(%arg15 : memref<!tpu.dma_semaphore, #tpu.memory_space<semaphore_mem>>)
    %dma_wait3A_184 = arith.constant 3 : i32
    %dma_wait3A_185 = arith.constant 0 : i32
    %dma_wait3A_186 = tpu.memref_slice %arg8[%dma_wait3A_184, %dma_wait3A_185] : memref<4x128xi32, #tpu.memory_space<vmem>> -> memref<1x128xi32, #tpu.memory_space<vmem>>
    %dma_wait3A_187 = tpu.memref_squeeze %dma_wait3A_186 : memref<1x128xi32, #tpu.memory_space<vmem>> -> memref<128xi32, #tpu.memory_space<vmem>>
    %dma_wait3A_188 = arith.constant 0 : i32
    %dma_wait3A_189 = arith.constant 0 : i32
    %dma_wait3A_190 = tpu.memref_slice %arg4[%dma_wait3A_188, %dma_wait3A_189] : memref<100000x128xf32, #tpu.memory_space<hbm>> -> memref<100000x128xf32, #tpu.memory_space<hbm>>
    tpu.wait_indirect_dma semaphore(%arg13 : memref<!tpu.dma_semaphore, #tpu.memory_space<semaphore_mem>>) src(%dma_wait3A_190 : memref<100000x128xf32, #tpu.memory_space<hbm>>) dst(%arg10 : memref<128x128xf32, #tpu.memory_space<vmem>>)
    %add3A_191 = arith.constant 384 : i32
    %add3A_192 = arith.addi %mul3A_2, %add3A_191 : i32
    %dma_start3A_193 = arith.constant 0 : i32
    %dma_start3A_194 = tpu.memref_slice %arg6[%add3A_192, %dma_start3A_193] : memref<16384x128xf32, #tpu.memory_space<hbm>> -> memref<128x128xf32, #tpu.memory_space<hbm>>
    %dma_start3A_195 = arith.constant 0 : i32
    %dma_start3A_196 = tpu.memref_slice %arg6[%add3A_192, %dma_start3A_195] : memref<16384x128xf32, #tpu.memory_space<hbm>> -> memref<128x128xf32, #tpu.memory_space<hbm>>
    tpu.enqueue_dma source(%arg10 : memref<128x128xf32, #tpu.memory_space<vmem>>) target(%dma_start3A_196 : memref<128x128xf32, #tpu.memory_space<hbm>>) target_semaphore(%arg16 : memref<!tpu.dma_semaphore, #tpu.memory_space<semaphore_mem>>)
    %dma_wait3A_197 = arith.constant 0 : i32
    %dma_wait3A_198 = tpu.memref_slice %arg6[%add3A_179, %dma_wait3A_197] : memref<16384x128xf32, #tpu.memory_space<hbm>> -> memref<128x128xf32, #tpu.memory_space<hbm>>
    %dma_wait3A_199 = arith.constant 0 : i32
    %dma_wait3A_200 = tpu.memref_slice %arg6[%add3A_179, %dma_wait3A_199] : memref<16384x128xf32, #tpu.memory_space<hbm>> -> memref<128x128xf32, #tpu.memory_space<hbm>>
    tpu.wait_dma2 semaphore(%arg15 : memref<!tpu.dma_semaphore, #tpu.memory_space<semaphore_mem>>) src(%arg9 : memref<128x128xf32, #tpu.memory_space<vmem>>) dst(%dma_wait3A_200 : memref<128x128xf32, #tpu.memory_space<hbm>>)
    %dma_wait3A_201 = arith.constant 0 : i32
    %dma_wait3A_202 = tpu.memref_slice %arg6[%add3A_192, %dma_wait3A_201] : memref<16384x128xf32, #tpu.memory_space<hbm>> -> memref<128x128xf32, #tpu.memory_space<hbm>>
    %dma_wait3A_203 = arith.constant 0 : i32
    %dma_wait3A_204 = tpu.memref_slice %arg6[%add3A_192, %dma_wait3A_203] : memref<16384x128xf32, #tpu.memory_space<hbm>> -> memref<128x128xf32, #tpu.memory_space<hbm>>
    tpu.wait_dma2 semaphore(%arg16 : memref<!tpu.dma_semaphore, #tpu.memory_space<semaphore_mem>>) src(%arg10 : memref<128x128xf32, #tpu.memory_space<vmem>>) dst(%dma_wait3A_204 : memref<128x128xf32, #tpu.memory_space<hbm>>)
    %dma_wait3A_205 = arith.constant 0 : i32
    %dma_wait3A_206 = tpu.memref_slice %arg6[%add3A_153, %dma_wait3A_205] : memref<16384x128xf32, #tpu.memory_space<hbm>> -> memref<128x128xf32, #tpu.memory_space<hbm>>
    %dma_wait3A_207 = arith.constant 0 : i32
    %dma_wait3A_208 = tpu.memref_slice %arg6[%add3A_153, %dma_wait3A_207] : memref<16384x128xf32, #tpu.memory_space<hbm>> -> memref<128x128xf32, #tpu.memory_space<hbm>>
    tpu.wait_dma2 semaphore(%arg17 : memref<!tpu.dma_semaphore, #tpu.memory_space<semaphore_mem>>) src(%arg11 : memref<128x128xf32, #tpu.memory_space<vmem>>) dst(%dma_wait3A_208 : memref<128x128xf32, #tpu.memory_space<hbm>>)
    return
  }
}

module attributes {stable_mosaic.version = 14 : i64} {
  func.func @_tc_body(%arg0: i32, %arg1: memref<2048x128xf32, #tpu.memory_space<vmem>>, %arg2: memref<2048x128xf32, #tpu.memory_space<vmem>>, %arg3: memref<2048xi32, #tpu.memory_space<vmem>>, %arg4: memref<128x128xf32, #tpu.memory_space<vmem>>, %arg5: memref<128x128xf32, #tpu.memory_space<vmem>>, %arg6: memref<256x128xf32, #tpu.memory_space<vmem>>, %arg7: memref<2048xf32, #tpu.memory_space<vmem>>, %arg8: memref<256x128xf32, #tpu.memory_space<vmem>>) attributes {dimension_semantics = [#tpu.dimension_semantics<arbitrary>], iteration_bounds = array<i64: 8>, scalar_prefetch = 0 : i64, scratch_operands = 1 : i64, tpu.core_type = #tpu.core_type<tc>, window_params = [{transform_indices = @transform_0, window_bounds = array<i64: 2048, 128>}, {transform_indices = @transform_1, window_bounds = array<i64: 2048, 128>}, {transform_indices = @transform_2, window_bounds = array<i64: 2048>}, {pipeline_mode = #tpu.pipeline_mode<synchronous>, transform_indices = @transform_3, window_bounds = array<i64: 128, 128>}, {pipeline_mode = #tpu.pipeline_mode<synchronous>, transform_indices = @transform_4, window_bounds = array<i64: 128, 128>}, {pipeline_mode = #tpu.pipeline_mode<synchronous>, transform_indices = @transform_5, window_bounds = array<i64: 256, 128>}, {transform_indices = @transform_6, window_bounds = array<i64: 2048>}]} {
    %eq3A = arith.constant 0 : i32
    %eq3A_0 = arith.cmpi eq, %arg0, %eq3A : i32
    %convert_element_type3A = arith.extui %eq3A_0 : i1 to i32
    %cond3A = arith.constant 0 : i32
    %cond3A_1 = arith.cmpi ne, %convert_element_type3A, %cond3A : i32
    scf.if %cond3A_1 {
      %get3A_30 = arith.constant 0 : index
      %get3A_31 = arith.constant 0 : index
      %get3A_32 = vector.load %arg6[%get3A_30, %get3A_31] : memref<256x128xf32, #tpu.memory_space<vmem>>, vector<256x128xf32>
      %get3A_33 = arith.constant 0 : index
      %get3A_34 = arith.constant 0 : index
      %get3A_35 = vector.load %arg4[%get3A_33, %get3A_34] : memref<128x128xf32, #tpu.memory_space<vmem>>, vector<128x128xf32>
      %dot_general3A_36 = arith.constant dense<0.000000e+00> : vector<256x128xf32>
      %dot_general3A_37 = tpu.matmul %get3A_32, %get3A_35, %dot_general3A_36 {dimension_numbers = #tpu.dot_dimension_numbers<[1], [1], [0], [0], [0, 0, 1, 0], [], []>, transpose_lhs_hint = false} : vector<256x128xf32>, vector<128x128xf32>, vector<256x128xf32> -> vector<256x128xf32>
      %swap3A_38 = arith.constant 0 : index
      %swap3A_39 = arith.constant 0 : index
      %swap3A_40 = vector.load %arg8[%swap3A_38, %swap3A_39] : memref<256x128xf32, #tpu.memory_space<vmem>>, vector<256x128xf32>
      tpu.vector_store %arg8[%swap3A_38, %swap3A_39], %dot_general3A_37 {strides = array<i32>} : memref<256x128xf32, #tpu.memory_space<vmem>>, vector<256x128xf32>,
    } else {
    }
    %get3A = arith.constant 0 : index
    %get3A_2 = arith.constant 0 : index
    %get3A_3 = vector.load %arg1[%get3A, %get3A_2] : memref<2048x128xf32, #tpu.memory_space<vmem>>, vector<2048x128xf32>
    %get3A_4 = arith.constant 0 : index
    %get3A_5 = arith.constant 0 : index
    %get3A_6 = vector.load %arg5[%get3A_4, %get3A_5] : memref<128x128xf32, #tpu.memory_space<vmem>>, vector<128x128xf32>
    %dot_general3A = arith.constant dense<0.000000e+00> : vector<2048x128xf32>
    %dot_general3A_7 = tpu.matmul %get3A_3, %get3A_6, %dot_general3A {dimension_numbers = #tpu.dot_dimension_numbers<[1], [0], [0], [1], [0, 0, 1, 1], [], []>, transpose_lhs_hint = false} : vector<2048x128xf32>, vector<128x128xf32>, vector<2048x128xf32> -> vector<2048x128xf32>
    %get3A_8 = arith.constant 0 : index
    %get3A_9 = arith.constant 0 : index
    %get3A_10 = vector.load %arg2[%get3A_8, %get3A_9] : memref<2048x128xf32, #tpu.memory_space<vmem>>, vector<2048x128xf32>
    %get3A_11 = arith.constant 0 : index
    %get3A_12 = arith.constant 0 : index
    %get3A_13 = vector.load %arg5[%get3A_11, %get3A_12] : memref<128x128xf32, #tpu.memory_space<vmem>>, vector<128x128xf32>
    %dot_general3A_14 = arith.constant dense<0.000000e+00> : vector<2048x128xf32>
    %dot_general3A_15 = tpu.matmul %get3A_10, %get3A_13, %dot_general3A_14 {dimension_numbers = #tpu.dot_dimension_numbers<[1], [0], [0], [1], [0, 0, 1, 1], [], []>, transpose_lhs_hint = false} : vector<2048x128xf32>, vector<128x128xf32>, vector<2048x128xf32> -> vector<2048x128xf32>
    %roll3A = arith.constant 64 : i32
    %roll3A_16 = tpu.dynamic_rotate %dot_general3A_15 by %roll3A dim 1 : vector<2048x128xf32>, i32 -> vector<2048x128xf32>
    %mul3A = arith.mulf %dot_general3A_7, %dot_general3A_15 : vector<2048x128xf32>
    %mul3A_17 = arith.mulf %dot_general3A_7, %roll3A_16 : vector<2048x128xf32>
    %concatenate3A = tpu.concatenate %mul3A, %mul3A_17 in 1 : vector<2048x128xf32>, vector<2048x128xf32> -> vector<2048x256xf32>
    %get3A_18 = arith.constant 0 : index
    %get3A_19 = arith.constant 0 : index
    %get3A_20 = vector.load %arg8[%get3A_18, %get3A_19] : memref<256x128xf32, #tpu.memory_space<vmem>>, vector<256x128xf32>
    %dot_general3A_21 = arith.constant dense<0.000000e+00> : vector<2048x128xf32>
    %dot_general3A_22 = tpu.matmul %concatenate3A, %get3A_20, %dot_general3A_21 {dimension_numbers = #tpu.dot_dimension_numbers<[1], [0], [0], [1], [0, 0, 1, 1], [], []>, transpose_lhs_hint = false} : vector<2048x256xf32>, vector<256x128xf32>, vector<2048x128xf32> -> vector<2048x128xf32>
    %get3A_23 = arith.constant 0 : index
    %get3A_24 = vector.load %arg3[%get3A_23] : memref<2048xi32, #tpu.memory_space<vmem>>, vector<2048xi32>
    %broadcast_in_dim3A = vector.shape_cast %get3A_24 : vector<2048xi32> to vector<2048x1xi32>
    %iota3A = tpu.iota {dimensions = array<i32: 1>} : vector<2048x128xi32>
    %eq3A_25 = vector.broadcast %broadcast_in_dim3A : vector<2048x1xi32> to vector<2048x128xi32>
    %eq3A_26 = arith.cmpi eq, %eq3A_25, %iota3A : vector<2048x128xi32>
    %jit3A = arith.constant 0.000000e+00 : f32
    %broadcast_in_dim3A_27 = vector.broadcast %jit3A : f32 to vector<2048x128xf32>
    %select_n3A = arith.select %eq3A_26, %dot_general3A_22, %broadcast_in_dim3A_27 : vector<2048x128xi1>, vector<2048x128xf32>
    %reduce_sum3A = arith.constant dense<0.000000e+00> : vector<2048xf32>
    %reduce_sum3A_28 = vector.multi_reduction <add>, %select_n3A, %reduce_sum3A [1] : vector<2048x128xf32> to vector<2048xf32>
    %swap3A = arith.constant 0 : index
    %swap3A_29 = vector.load %arg7[%swap3A] : memref<2048xf32, #tpu.memory_space<vmem>>, vector<2048xf32>
    tpu.vector_store %arg7[%swap3A], %reduce_sum3A_28 {strides = array<i32>} : memref<2048xf32, #tpu.memory_space<vmem>>, vector<2048xf32>,
    return
  }
  func.func @transform_0(%arg0: i32) -> (i32, i32) {
    %c0_i32 = arith.constant 0 : i32
    %c0_i32_0 = arith.constant 0 : i32
    return %arg0, %c0_i32 : i32, i32
  }
  func.func @transform_1(%arg0: i32) -> (i32, i32) {
    %c0_i32 = arith.constant 0 : i32
    %c0_i32_0 = arith.constant 0 : i32
    return %arg0, %c0_i32 : i32, i32
  }
  func.func @transform_2(%arg0: i32) -> i32 {
    %add3A = arith.constant 0 : i32
    %add3A_0 = arith.addi %arg0, %add3A : i32
    %c0_i32 = arith.constant 0 : i32
    return %add3A_0 : i32
  }
  func.func @transform_3(%arg0: i32) -> (i32, i32) {
    %c0_i32 = arith.constant 0 : i32
    %c0_i32_0 = arith.constant 0 : i32
    %c0_i32_1 = arith.constant 0 : i32
    return %c0_i32, %c0_i32_0 : i32, i32
  }
  func.func @transform_4(%arg0: i32) -> (i32, i32) {
    %c0_i32 = arith.constant 0 : i32
    %c0_i32_0 = arith.constant 0 : i32
    %c0_i32_1 = arith.constant 0 : i32
    return %c0_i32, %c0_i32_0 : i32, i32
  }
  func.func @transform_5(%arg0: i32) -> (i32, i32) {
    %c0_i32 = arith.constant 0 : i32
    %c0_i32_0 = arith.constant 0 : i32
    %c0_i32_1 = arith.constant 0 : i32
    return %c0_i32, %c0_i32_0 : i32, i32
  }
  func.func @transform_6(%arg0: i32) -> i32 {
    %c0_i32 = arith.constant 0 : i32
    return %arg0 : i32
  }
}

</mosaic_0001>

<sc_bundles>
// kernel: kernel.4.cloned.1.call-start
scs
__scs_entry_jumppad:
0x0: {  	(pc) =	sbr.rel $0x88, $3  }
0x1: {  	(tag) =	ssettag $0x0;
	lr =	simm.s32 $0x1  }
0x2: {  	[smem:$0x3F9C] =	sst lr;
	_ =	strace $0xD0000000  }
0x3: {  	_ = 	snop  }
0x4: {  	_ = 	snop  }
0x5: {  	_ = 	snop  }
0x6: {  	_ = 	snop  }
0x7: {  	_ = 	snop  }
__scs_overlays_trampoline_lowered:
0x8: {  	[smem:$0x3FAB] =	sst s0  }
0x9: {  	[smem:$0x3FAC] =	sst s1  }
0xa: {  	[smem:$0x3FAD] =	sst s2  }
0xb: {  	[smem:$0x3FAE] =	sst s3  }
0xc: {  	[smem:$0x3FAF] =	sst s4  }
0xd: {  	[smem:$0x3FB0] =	sst s5  }
0xe: {  	[smem:$0x3FB1] =	sst s6  }
0xf: {  	[smem:$0x3FB2] =	sst s7  }
0x10: {  	[smem:$0x3FB3] =	sst s8  }
0x11: {  	[smem:$0x3FB4] =	sst s9;
	s0 =	simm.s32 @!p0 $0x0  }
0x12: {  	s1 =	sld [smem:$0x3F9A];
	s0 =	simm.s32 @p0 $0x1  }
0x13: {  	[smem:$0x3FB5] =	sst s0;
	s0 =	simm.s32 @!p1 $0x0  }
0x14: {  	s2 =	sld [smem:$0x3F99];
	s0 =	simm.s32 @p1 $0x1  }
0x15: {  	[smem:$0x3FB6] =	sst s0;
	s0 =	simm.s32 @!p2 $0x0  }
0x16: {  	s3 =	sld [smem:$0x3FDB];
	s0 =	simm.s32 @p2 $0x1  }
0x17: {  	s4 =	simm.s32 $0x1BF5;
	[smem:$0x3FB8] =	sst s0  }
0x18: {  	s0 =	sld [smem:$0x3F9B];
	_ =	swait.ge [sflag:s4], $0x0  }
0x19: {  	s7 =	sld [smem:$0x3F9C]  }
0x1a: {  	s8 =	sadd.s32 $0xFFFFE003, lr  }
0x1b: {  	s9 =	sadd.s32 $0xFFFFFEF7, lr;
	s5 =	simm.s32 $0xFFFFFFFF;
	p2 =	slt.u32 s8, $0xFFFFF086  }
0x1c: {  	p1 =	slt.u32 s9, $0xF7A;
	s5 =	simm.s32 @!p2 $0x0  }
0x1d: {  	s5 =	simm.s32 @p1 $0x1;
	p0 =	seq.s32 s7, s2  }
0x1e: {  	s7 =	smul.u32 @!p0 $0xF7A, s2;
	p2 =	seq.s32 @!p0 s5, $0x0  }
0x1f: {  	s9 =	smul.u32 $0xF7A, s1;
	s8 =	simm.s32 @!p0 $0x1BF5;
	p2 =	por !p2, p0  }
0x20: {  	[sflag:s8] =	ssyncset.s32 @!p0 $0xFFFFF086;
	s6 =	sadd.s32 @!p0 s3, s7;
	s7 =	simm.s32 @!p0 $0x108  }
0x21: {  	s3 =	sadd.s32 s3, s9;
	s6 =	sadd.s32 @!p0 $0x88, s6;
	s7 =	simm.s32 @p2 $0x1082  }
0x22: {  	[simem:s7], [sflag:s8] =	dma.local @!p0 [hbm:s6], $0xF7A  }
0x23: {  	s9 =	sor.u32 $0xD0000000, s2;
	s6 =	simm.s32 $0x108;
	_ =	swait.ge @!p0 [sflag:s8], $0x0  }
0x24: {  	s3 =	sadd.s32 $0x88, s3;
	s6 =	simm.s32 @!p1 $0x1082;
	[sflag:s4] =	ssyncset.s32 $0xFFFFF086  }
0x25: {  	[simem:s6], [sflag:s4] =	dma.local [hbm:s3], $0xF7A  }
0x26: {  	[smem:$0x3F9C] =	sst s1;
	(tag) =	ssettag s2;
	_ =	strace s9  }
0x27: {  	s1 =	sld [smem:$0x3FAC]  }
0x28: {  	s2 =	sld [smem:$0x3FAD]  }
0x29: {  	s4 =	sld [smem:$0x3FAF]  }
0x2a: {  	p0 =	seq.s32 s5, $0x0;
	s5 =	sld [smem:$0x3FB0]  }
0x2b: {  	s6 =	sld [smem:$0x3FB1]  }
0x2c: {  	s7 =	sld [smem:$0x3FB2]  }
0x2d: {  	s3 =	simm.s32 $0x108;
	s8 =	sld [smem:$0x3FB3]  }
0x2e: {  	s3 =	simm.s32 @!p0 $0x1082;
	s9 =	sld [smem:$0x3FB4]  }
0x2f: {  	lr =	sadd.s32 s0, s3;
	s0 =	sld [smem:$0x3FAB]  }
0x30: {  	s3 =	sld [smem:$0x3FAE]  }
0x31: {  	[smem:$0x3FB7] =	sst s10  }
0x32: {  	s10 =	sld [smem:$0x3FB5];
	_ =	sdelay $0x3  }
0x33: {  	p0 =	seq.s32 s10, $0x1;
	s10 =	sld [smem:$0x3FB7];
	_ =	sdelay $0x3  }
0x34: {  	[smem:$0x3FB7] =	sst s10  }
0x35: {  	s10 =	sld [smem:$0x3FB6];
	_ =	sdelay $0x3  }
0x36: {  	p1 =	seq.s32 s10, $0x1;
	s10 =	sld [smem:$0x3FB7];
	_ =	sdelay $0x3  }
0x37: {  	[smem:$0x3FB7] =	sst s10  }
0x38: {  	s10 =	sld [smem:$0x3FB8]  }
0x39: {  	_ = 	snop;
	(pc) =	sbr.ind lr, $3  }
0x3a: {  	_ = 	snop  }
0x3b: {  	_ = 	snop  }
0x3c: {  	p2 =	seq.s32 s10, $0x1;
	s10 =	sld [smem:$0x3FB7]  }
0x3d: {  	_ =	shalt  }
0x3e: {  	_ =	shalt  }
0x3f: {  	_ =	shalt  }
0x40: {  	_ =	shalt  }
0x41: {  	_ =	shalt  }
0x42: {  	_ =	shalt  }
0x43: {  	_ =	shalt  }
0x44: {  	_ =	shalt  }
0x45: {  	_ =	shalt  }
0x46: {  	_ =	shalt  }
0x47: {  	_ =	shalt  }
0x48: {  	_ =	shalt  }
0x49: {  	_ =	shalt  }
0x4a: {  	_ =	shalt  }
0x4b: {  	_ =	shalt  }
0x4c: {  	_ =	shalt  }
0x4d: {  	_ =	shalt  }
0x4e: {  	_ =	shalt  }
0x4f: {  	_ =	shalt  }
0x50: {  	_ =	shalt  }
0x51: {  	_ =	shalt  }
0x52: {  	_ =	shalt  }
0x53: {  	_ =	shalt  }
0x54: {  	_ =	shalt  }
0x55: {  	_ =	shalt  }
0x56: {  	_ =	shalt  }
0x57: {  	_ =	shalt  }
0x58: {  	_ =	shalt  }
0x59: {  	_ =	shalt  }
0x5a: {  	_ =	shalt  }
0x5b: {  	_ =	shalt  }
0x5c: {  	_ =	shalt  }
0x5d: {  	_ =	shalt  }
0x5e: {  	_ =	shalt  }
0x5f: {  	_ =	shalt  }
0x60: {  	_ =	shalt  }
0x61: {  	_ =	shalt  }
0x62: {  	_ =	shalt  }
0x63: {  	_ =	shalt  }
0x64: {  	_ =	shalt  }
0x65: {  	_ =	shalt  }
0x66: {  	_ =	shalt  }
0x67: {  	_ =	shalt  }
0x68: {  	_ =	shalt  }
0x69: {  	_ =	shalt  }
0x6a: {  	_ =	shalt  }
0x6b: {  	_ =	shalt  }
0x6c: {  	_ =	shalt  }
0x6d: {  	_ =	shalt  }
0x6e: {  	_ =	shalt  }
0x6f: {  	_ =	shalt  }
0x70: {  	_ =	shalt  }
0x71: {  	_ =	shalt  }
0x72: {  	_ =	shalt  }
0x73: {  	_ =	shalt  }
0x74: {  	_ =	shalt  }
0x75: {  	_ =	shalt  }
0x76: {  	_ =	shalt  }
0x77: {  	_ =	shalt  }
0x78: {  	_ =	shalt  }
0x79: {  	_ =	shalt  }
0x7a: {  	_ =	shalt  }
0x7b: {  	_ =	shalt  }
0x7c: {  	_ =	shalt  }
0x7d: {  	_ =	shalt  }
0x7e: {  	_ =	shalt  }
0x7f: {  	_ =	shalt  }
0x80: {  	_ =	shalt  }
0x81: {  	_ =	shalt  }
0x82: {  	_ =	shalt  }
0x83: {  	_ =	shalt  }
0x84: {  	_ =	shalt  }
0x85: {  	_ =	shalt  }
0x86: {  	_ =	shalt  }
0x87: {  	_ =	shalt  }
.Lfunc_end0:
.L_simem_size_0:
called_computation_lowered:
.L_overlay_start_0:
0x88: {  	s2 =	sld [smem:$0x3FD9]  }
0x89: {  	s3 =	sld [smem:$0x3FFE];
	_ =	sdelay $0x1  }
0x8a: {  	s1 =	srdreg.scid  }
0x8b: {  	s0 =	sand.u32 $0x1, s1  }
0x8c: {  	s17 =	sshll.u32 s0, $0xA;
	s2 =	sadd.s32 s3, s2  }
0x8d: {  	s2 =	sadd.s32 s2, s17  }
0x8e: {  	[smem:$0x3FC3] =	sst s2  }
0x8f: {  	_ = 	snop  }
0x90: {  	s2 =	sld [smem:$0x3FC9]  }
0x91: {  	s18 =	sld [smem:$0x3FC7]  }
0x92: {  	s4 =	sld [smem:$0x3FC6];
	(tm) =	ssettm $0x1  }
0x93: {  	s5 =	sld [smem:$0x3FFB];
	_ =	sdelay $0x3  }
0x94: {  	_ =	strace s5  }
0x95: {  	s5 =	sld [smem:$0x3FFC];
	_ =	sdelay $0x3  }
0x96: {  	_ =	strace s5  }
0x97: {  	s5 =	sld [smem:$0x3FFD];
	_ =	sdelay $0x3  }
0x98: {  	_ =	strace s5  }
0x99: {  	_ =	strace $0x8FFFFFFF  }
0x9a: {  	s19 =	sld [smem:$0x3FDB];
	_ =	sdelay $0x1  }
0x9b: {  	s6 =	simm.s32 $_scs_section_size  }
0x9c: {  	s7 =	simm.s32 $_size__tile_overlayer_lowered;
	s8 =	simm.s32 $_tile_overlayer_lowered  }
0x9d: {  	s22 =	simm.s32 $0x1BFF;
	s21 =	sshll.u32 s8, $0x1;
	s5 =	sadd.s32 s6, s19  }
0x9e: {  	s9 =	simm.s32 $0x0;
	s20 =	sshll.u32 s7, $0x1;
	s7 =	sadd.s32 s21, s5  }
0x9f: {  	[timem:s9], [sflag:s22] =	dma.local [hbm:s7], s20  }
0xa0: {  	_ =	swait.ge [sflag:s22], s20  }
0xa1: {  	s6 =	ssub.s32 $0x0, s20;
	[sflag:s22] =	ssyncset.done $0x0  }
0xa2: {  	[sflag:s22] =	ssyncadd.s32 s6;
	_ =	sdelay $0x1  }
0xa3: {  	s23 =	simm.s32 $0x1B8B  }
0xa4: {  	_ =	swait.ge [sflag:s23], $0x1  }
0xa5: {  	[sflag:s23] =	ssyncset.done $0x0  }
0xa6: {  	s25 =	simm.s32 $0x1B8E;
	s24 =	sld [smem:$0x3FFE];
	[sflag:s23] =	ssyncadd.s32 $0xFFFFFFFF  }
0xa7: {  	s26 =	simm.s32 $execute0_lowered;
	[smem:$0x3FD2] =	sst s25  }
0xa8: {  	s7 =	sshll.u32 s26, $0x1;
	_ =	strace $0x80000046;
	[dreg:$0x1] =	wrdreg $0xFFFFFFFF  }
0xa9: {  	s28 =	simm.s32 $_size_execute0_lowered;
	s5 =	sadd.s32 s5, s7;
	[dreg:$0x0] =	wrdreg $0x0  }
0xaa: {  	s7 =	sshll.u32 s28, $0x1;
	[dreg:$0x2] =	wrdreg s5  }
0xab: {  	[dreg:$0x3] =	wrdreg s7  }
0xac: {  	[dreg:$0x4] =	wrdreg $0xC0  }
0xad: {  	_ =	task [dreg:s9], $0x5FFFF  }
0xae: {  	[dreg:$0x1] =	wrdreg $0xFFFFFFFF  }
0xaf: {  	[dreg:$0x0] =	wrdreg $0x60  }
0xb0: {  	[dreg:$0x2] =	wrdreg s2  }
0xb1: {  	[dreg:$0x3] =	wrdreg s18  }
0xb2: {  	[dreg:$0x4] =	wrdreg s4  }
0xb3: {  	[dreg:$0x5] =	wrdreg s24  }
0xb4: {  	[dreg:$0x6] =	wrdreg $0x9  }
0xb5: {  	_ =	task.clear_ibuf [dreg:s9], $0x7FFFF;
	_ =	strace $0x90000046  }
0xb6: {  	s29 =	simm.s32 $0x9;
	_ =	strace $0x80000048  }
0xb7: {  	_ =	swait.ge [sflag:s29], $0x1  }
0xb8: {  	[sflag:s29] =	ssyncadd.s32 $0xFFFFFFFF  }
0xb9: {  	_ =	strace $0x90000048  }
0xba: {  	_ =	sfence  }
0xbb: {  	s30 =	sld [smem:$0x0];
	_ =	sdelay $0x2  }
0xbc: {  	s31 =	sshll.u32 s1, $0xD;
	s1 =	sshrl.u32 s1, $0x2  }
0xbd: {  	s3 =	sand.u32 $0x4000, s31;
	s1 =	sadd.s32 s1, s30  }
0xbe: {  	s0 =	sor.u32 s3, s0;
	s1 =	sshll.u32 s1, $0x11  }
0xbf: {  	s0 =	sor.u32 s1, s0  }
0xc0: {  	s0 =	sadd.s32 $0x8F2B, s0  }
0xc1: {  	[sflag:s0] =	ssyncadd.remote.s32 $0x1  }
0xc2: {  	_ =	sfence.sel $0xFFFF  }
0xc3: {  	[dreg:$0x0] =	wrdreg $0xFFFFFFFF;
	(pc) =	sbr.abs _section_cstart, $3  }
0xc4: {  	[dreg:$0x1] =	wrdreg $0xFFFFFFFF  }
0xc5: {  	_ =	task.clear_ibuf [dreg:s9], $0x2FFFF;
	_ =	strace $0x9FFFFFFF  }
0xc6: {  	(tm) =	ssettm $0x7FFFFFFF  }
0xc7: {  	_ =	shalt  }
tec
execute0_lowered:
.L_overlay_start_1:
0x0: {  	(tag) =	ssettag $0x1  }
0x1: {  	s1 =	srdreg.scid  }
0x2: {  	s4 =	rddreg [dreg:$0x0];
	s0 =	stileid.u32;
	s31 =	sand.u32 $0x1, s1  }
0x3: {  	s5 =	rddreg [dreg:$0x1];
	s6 =	sshll.u32 s0, $0xA;
	s7 =	sshll.u32 s31, $0x9  }
0x4: {  	s2 =	rddreg [dreg:$0x2];
	s11 =	sor.u32 s7, s6  }
0x5: {  	s24 =	rddreg [dreg:$0x3];
	s3 =	simm.s32 $0x0;
	s6 =	sshrl.u32 s11, $0x3  }
0x6: {  	[smem:$0x7FF] =	sst s3;
	s4 =	sadd.s32 s4, s6  }
0x7: {  	_ =	strace $0x80000047;
	[dreg:$0x5] =	wrdreg s4  }
0x8: {  	s4 =	simm.s32 $0x7;
	s26 =	rddreg [dreg:$0x5]  }
0x9: {  	[tilespmem:s3], [sflag:$0x7] =	stream.linear.gather [hbm4b:s26+s3], $0x200, $0x38;
	[tilespmem:$0xC400] =	vst v63  }
0xa: {  	_ =	swait.ge [sflag:s4], $0x200  }
0xb: {  	[sflag:s4] =	ssyncset.done $0x0  }
0xc: {  	s5 =	sadd.s32 s5, s6;
	s6 =	simm.s32 $0x200;
	[sflag:s4] =	ssyncadd.s32 $0xFFFFFE00  }
0xd: {  	[tilespmem:s6], [sflag:$0x7] =	stream.linear.gather [hbm4b:s5+s3], $0x200, $0x38;
	[tilespmem:$0xC400] =	vst v63  }
0xe: {  	_ =	swait.ge [sflag:s4], $0x200  }
0xf: {  	[sflag:s4] =	ssyncset.done $0x0  }
0x10: {  	s8 =	simm.s32 $0x400;
	s7 =	simm.s32 $0x80;
	[sflag:s4] =	ssyncadd.s32 $0xFFFFFE00  }
0x11: {  	[tilespmem:s8], [sflag:$0x1] =	stream.indirect.gather [hbm4b:s2+s7], $0x80, s3, s7, $0xb8;
	[tilespmem:$0xC400] =	vst v63  }
0x12: {  	s9 =	simm.s32 $0x4400;
	s10 =	simm.s32 $0x1  }
0x13: {  	[tilespmem:s9], [sflag:$0x2] =	stream.indirect.gather [hbm4b:s2+s7], $0x80, s7, s7, $0xb8;
	[tilespmem:$0xC400] =	vst v63  }
0x14: {  	_ =	swait.ge [sflag:s10], $0x4000  }
0x15: {  	s21 =	sadd.s32 $0x1400, s24;
	s25 =	sshll.u32 s11, $0x4;
	[sflag:s10] =	ssyncset.done $0x0  }
0x16: {  	s11 =	sadd.s32 s21, s25;
	[sflag:s10] =	ssyncadd.s32 $0xFFFFC000  }
0x17: {  	[hbm4b:s11+s3] =	stream.linear.scatter [tilespmem:s8], [sflag:$0x4], $0x4000, $0x38;
	[tilespmem:$0xC400] =	vst v63  }
0x18: {  	s12 =	simm.s32 $0x100;
	s13 =	simm.s32 $0x8400;
	s14 =	simm.s32 $0x2  }
0x19: {  	[tilespmem:s13], [sflag:$0x3] =	stream.indirect.gather [hbm4b:s2+s7], $0x80, s12, s7, $0xb8;
	[tilespmem:$0xC400] =	vst v63  }
0x1a: {  	_ =	swait.ge [sflag:s14], $0x4000  }
0x1b: {  	s26 =	sor.u32 $0x800, s25;
	[sflag:s14] =	ssyncset.done $0x0  }
0x1c: {  	s16 =	simm.s32 $0x4;
	s15 =	sadd.s32 s21, s26;
	[sflag:s14] =	ssyncadd.s32 $0xFFFFC000  }
0x1d: {  	[hbm4b:s15+s3] =	stream.linear.scatter [tilespmem:s9], [sflag:$0x5], $0x4000, $0x38;
	[tilespmem:$0xC400] =	vst v63  }
0x1e: {  	_ =	swait.ge [sflag:s16], $0x4000  }
0x1f: {  	[sflag:s16] =	ssyncset.done $0x0  }
0x20: {  	s17 =	simm.s32 $0x180;
	s18 =	simm.s32 $0x3;
	[sflag:s16] =	ssyncadd.s32 $0xFFFFC000  }
0x21: {  	[tilespmem:s8], [sflag:$0x1] =	stream.indirect.gather [hbm4b:s2+s7], $0x80, s17, s7, $0xb8;
	[tilespmem:$0xC400] =	vst v63  }
0x22: {  	_ =	swait.ge [sflag:s18], $0x4000  }
0x23: {  	s29 =	sor.u32 $0x1000, s25;
	[sflag:s18] =	ssyncset.done $0x0  }
0x24: {  	s20 =	simm.s32 $0x5;
	s19 =	sadd.s32 s21, s29;
	[sflag:s18] =	ssyncadd.s32 $0xFFFFC000  }
0x25: {  	[hbm4b:s19+s3] =	stream.linear.scatter [tilespmem:s13], [sflag:$0x6], $0x4000, $0x38;
	[tilespmem:$0xC400] =	vst v63  }
0x26: {  	_ =	swait.ge [sflag:s20], $0x4000  }
0x27: {  	[sflag:s20] =	ssyncset.done $0x0  }
0x28: {  	[sflag:s20] =	ssyncadd.s32 $0xFFFFC000  }
0x29: {  	[tilespmem:s9], [sflag:$0x2] =	stream.indirect.gather [hbm4b:s2+s7], $0x80, s6, s7, $0xb8;
	[tilespmem:$0xC400] =	vst v63  }
0x2a: {  	_ =	swait.ge [sflag:s10], $0x4000  }
0x2b: {  	s30 =	sor.u32 $0x1800, s25;
	[sflag:s10] =	ssyncset.done $0x0  }
0x2c: {  	s22 =	simm.s32 $0x6;
	s21 =	sadd.s32 s21, s30;
	[sflag:s10] =	ssyncadd.s32 $0xFFFFC000  }
0x2d: {  	[hbm4b:s21+s3] =	stream.linear.scatter [tilespmem:s8], [sflag:$0x4], $0x4000, $0x38;
	[tilespmem:$0xC400] =	vst v63  }
0x2e: {  	_ =	swait.ge [sflag:s22], $0x4000  }
0x2f: {  	[sflag:s22] =	ssyncset.done $0x0  }
0x30: {  	s23 =	simm.s32 $0x280;
	[sflag:s22] =	ssyncadd.s32 $0xFFFFC000  }
0x31: {  	[tilespmem:s13], [sflag:$0x3] =	stream.indirect.gather [hbm4b:s2+s7], $0x80, s23, s7, $0xb8;
	[tilespmem:$0xC400] =	vst v63  }
0x32: {  	_ =	swait.ge [sflag:s14], $0x4000  }
0x33: {  	s1 =	sadd.s32 $0x41400, s24;
	[sflag:s14] =	ssyncset.done $0x0  }
0x34: {  	s24 =	sadd.s32 s1, s25;
	[sflag:s14] =	ssyncadd.s32 $0xFFFFC000  }
0x35: {  	[hbm4b:s24+s3] =	stream.linear.scatter [tilespmem:s9], [sflag:$0x5], $0x4000, $0x38;
	[tilespmem:$0xC400] =	vst v63  }
0x36: {  	_ =	swait.ge [sflag:s16], $0x4000  }
0x37: {  	[sflag:s16] =	ssyncset.done $0x0  }
0x38: {  	s25 =	simm.s32 $0x300;
	[sflag:s16] =	ssyncadd.s32 $0xFFFFC000  }
0x39: {  	[tilespmem:s8], [sflag:$0x1] =	stream.indirect.gather [hbm4b:s2+s7], $0x80, s25, s7, $0xb8;
	[tilespmem:$0xC400] =	vst v63  }
0x3a: {  	_ =	swait.ge [sflag:s18], $0x4000  }
0x3b: {  	[sflag:s18] =	ssyncset.done $0x0  }
0x3c: {  	s26 =	sadd.s32 s1, s26;
	[sflag:s18] =	ssyncadd.s32 $0xFFFFC000  }
0x3d: {  	[hbm4b:s26+s3] =	stream.linear.scatter [tilespmem:s13], [sflag:$0x6], $0x4000, $0x38;
	[tilespmem:$0xC400] =	vst v63  }
0x3e: {  	_ =	swait.ge [sflag:s20], $0x4000  }
0x3f: {  	[sflag:s20] =	ssyncset.done $0x0  }
0x40: {  	s28 =	simm.s32 $0x380;
	[sflag:s20] =	ssyncadd.s32 $0xFFFFC000  }
0x41: {  	[tilespmem:s9], [sflag:$0x2] =	stream.indirect.gather [hbm4b:s2+s7], $0x80, s28, s7, $0xb8;
	[tilespmem:$0xC400] =	vst v63  }
0x42: {  	_ =	swait.ge [sflag:s10], $0x4000  }
0x43: {  	[sflag:s10] =	ssyncset.done $0x0  }
0x44: {  	s29 =	sadd.s32 s1, s29;
	[sflag:s10] =	ssyncadd.s32 $0xFFFFC000  }
0x45: {  	[hbm4b:s29+s3] =	stream.linear.scatter [tilespmem:s8], [sflag:$0x4], $0x4000, $0x38;
	[tilespmem:$0xC400] =	vst v63  }
0x46: {  	s30 =	sadd.s32 s1, s30;
	s1 =	ssub.s32 $0x2, s31;
	_ =	swait.ge [sflag:s14], $0x4000  }
0x47: {  	s31 =	sshrl.u32 s1, $0x1;
	[sflag:s14] =	ssyncset.done $0x0  }
0x48: {  	s1 =	ssub.s32 s1, s31;
	[sflag:s14] =	ssyncadd.s32 $0xFFFFC000  }
0x49: {  	[hbm4b:s30+s3] =	stream.linear.scatter [tilespmem:s9], [sflag:$0x5], $0x4000, $0x38;
	[tilespmem:$0xC400] =	vst v63  }
0x4a: {  	s1 =	smax.u32 s1, $0x1;
	_ =	swait.ge [sflag:s16], $0x4000  }
0x4b: {  	p0 =	sne.s32 s1, $0x1;
	[sflag:s16] =	ssyncset.done $0x0  }
.Ltmp0:
0x4c: {  	[sflag:s16] =	ssyncadd.s32 $0xFFFFC000;
	(pc) =	sbr.rel @!p0 .LBB2_2-.Ltmp0, $4  }
0x4d: {  	_ =	swait.ge [sflag:s20], $0x4000  }
0x4e: {  	[sflag:s20] =	ssyncset.done $0x0  }
0x4f: {  	[sflag:s20] =	ssyncadd.s32 $0xFFFFC000  }
0x50: {  	s31 =	sadd.s32 $0xFFFFFFFF, s1;
	_ =	swait.ge [sflag:s22], $0x4000  }
.LBB2_1:
0x51: {  	[sflag:s22] =	ssyncset.done $0x0  }
0x52: {  	s1 =	rddreg [dreg:$0x5];
	[sflag:s22] =	ssyncadd.s32 $0xFFFFC000  }
0x53: {  	[tilespmem:s3], [sflag:$0x7] =	stream.linear.gather [hbm4b:s1+s3], $0x200, $0x38;
	[tilespmem:$0xC400] =	vst v63  }
0x54: {  	_ =	swait.ge [sflag:s4], $0x200  }
0x55: {  	[sflag:s4] =	ssyncset.done $0x0  }
0x56: {  	[sflag:s4] =	ssyncadd.s32 $0xFFFFFE00  }
0x57: {  	[tilespmem:s6], [sflag:$0x7] =	stream.linear.gather [hbm4b:s5+s3], $0x200, $0x38;
	[tilespmem:$0xC400] =	vst v63  }
0x58: {  	_ =	swait.ge [sflag:s4], $0x200  }
0x59: {  	[sflag:s4] =	ssyncset.done $0x0  }
0x5a: {  	[sflag:s4] =	ssyncadd.s32 $0xFFFFFE00  }
0x5b: {  	[tilespmem:s8], [sflag:$0x1] =	stream.indirect.gather [hbm4b:s2+s7], $0x80, s3, s7, $0xb8;
	[tilespmem:$0xC400] =	vst v63  }
0x5c: {  	_ = 	snop  }
0x5d: {  	[tilespmem:s9], [sflag:$0x2] =	stream.indirect.gather [hbm4b:s2+s7], $0x80, s7, s7, $0xb8;
	[tilespmem:$0xC400] =	vst v63  }
0x5e: {  	_ =	swait.ge [sflag:s10], $0x4000  }
0x5f: {  	[sflag:s10] =	ssyncset.done $0x0  }
0x60: {  	[sflag:s10] =	ssyncadd.s32 $0xFFFFC000  }
0x61: {  	[hbm4b:s11+s3] =	stream.linear.scatter [tilespmem:s8], [sflag:$0x4], $0x4000, $0x38;
	[tilespmem:$0xC400] =	vst v63  }
0x62: {  	_ = 	snop  }
0x63: {  	[tilespmem:s13], [sflag:$0x3] =	stream.indirect.gather [hbm4b:s2+s7], $0x80, s12, s7, $0xb8;
	[tilespmem:$0xC400] =	vst v63  }
0x64: {  	_ =	swait.ge [sflag:s14], $0x4000  }
0x65: {  	[sflag:s14] =	ssyncset.done $0x0  }
0x66: {  	[sflag:s14] =	ssyncadd.s32 $0xFFFFC000  }
0x67: {  	[hbm4b:s15+s3] =	stream.linear.scatter [tilespmem:s9], [sflag:$0x5], $0x4000, $0x38;
	[tilespmem:$0xC400] =	vst v63  }
0x68: {  	_ =	swait.ge [sflag:s16], $0x4000  }
0x69: {  	[sflag:s16] =	ssyncset.done $0x0  }
0x6a: {  	[sflag:s16] =	ssyncadd.s32 $0xFFFFC000  }
0x6b: {  	[tilespmem:s8], [sflag:$0x1] =	stream.indirect.gather [hbm4b:s2+s7], $0x80, s17, s7, $0xb8;
	[tilespmem:$0xC400] =	vst v63  }
0x6c: {  	_ =	swait.ge [sflag:s18], $0x4000  }
0x6d: {  	[sflag:s18] =	ssyncset.done $0x0  }
0x6e: {  	[sflag:s18] =	ssyncadd.s32 $0xFFFFC000  }
0x6f: {  	[hbm4b:s19+s3] =	stream.linear.scatter [tilespmem:s13], [sflag:$0x6], $0x4000, $0x38;
	[tilespmem:$0xC400] =	vst v63  }
0x70: {  	_ =	swait.ge [sflag:s20], $0x4000  }
0x71: {  	[sflag:s20] =	ssyncset.done $0x0  }
0x72: {  	[sflag:s20] =	ssyncadd.s32 $0xFFFFC000  }
0x73: {  	[tilespmem:s9], [sflag:$0x2] =	stream.indirect.gather [hbm4b:s2+s7], $0x80, s6, s7, $0xb8;
	[tilespmem:$0xC400] =	vst v63  }
0x74: {  	_ =	swait.ge [sflag:s10], $0x4000  }
0x75: {  	[sflag:s10] =	ssyncset.done $0x0  }
0x76: {  	[sflag:s10] =	ssyncadd.s32 $0xFFFFC000  }
0x77: {  	[hbm4b:s21+s3] =	stream.linear.scatter [tilespmem:s8], [sflag:$0x4], $0x4000, $0x38;
	[tilespmem:$0xC400] =	vst v63  }
0x78: {  	_ =	swait.ge [sflag:s22], $0x4000  }
0x79: {  	[sflag:s22] =	ssyncset.done $0x0  }
0x7a: {  	[sflag:s22] =	ssyncadd.s32 $0xFFFFC000  }
0x7b: {  	[tilespmem:s13], [sflag:$0x3] =	stream.indirect.gather [hbm4b:s2+s7], $0x80, s23, s7, $0xb8;
	[tilespmem:$0xC400] =	vst v63  }
0x7c: {  	_ =	swait.ge [sflag:s14], $0x4000  }
0x7d: {  	[sflag:s14] =	ssyncset.done $0x0  }
0x7e: {  	[sflag:s14] =	ssyncadd.s32 $0xFFFFC000  }
0x7f: {  	[hbm4b:s24+s3] =	stream.linear.scatter [tilespmem:s9], [sflag:$0x5], $0x4000, $0x38;
	[tilespmem:$0xC400] =	vst v63  }
0x80: {  	_ =	swait.ge [sflag:s16], $0x4000  }
0x81: {  	[sflag:s16] =	ssyncset.done $0x0  }
0x82: {  	[sflag:s16] =	ssyncadd.s32 $0xFFFFC000  }
0x83: {  	[tilespmem:s8], [sflag:$0x1] =	stream.indirect.gather [hbm4b:s2+s7], $0x80, s25, s7, $0xb8;
	[tilespmem:$0xC400] =	vst v63  }
0x84: {  	_ =	swait.ge [sflag:s18], $0x4000  }
0x85: {  	[sflag:s18] =	ssyncset.done $0x0  }
0x86: {  	[sflag:s18] =	ssyncadd.s32 $0xFFFFC000  }
0x87: {  	[hbm4b:s26+s3] =	stream.linear.scatter [tilespmem:s13], [sflag:$0x6], $0x4000, $0x38;
	[tilespmem:$0xC400] =	vst v63  }
0x88: {  	_ =	swait.ge [sflag:s20], $0x4000  }
0x89: {  	[sflag:s20] =	ssyncset.done $0x0  }
0x8a: {  	[sflag:s20] =	ssyncadd.s32 $0xFFFFC000  }
0x8b: {  	[tilespmem:s9], [sflag:$0x2] =	stream.indirect.gather [hbm4b:s2+s7], $0x80, s28, s7, $0xb8;
	[tilespmem:$0xC400] =	vst v63  }
0x8c: {  	_ =	swait.ge [sflag:s10], $0x4000  }
0x8d: {  	[sflag:s10] =	ssyncset.done $0x0  }
0x8e: {  	[sflag:s10] =	ssyncadd.s32 $0xFFFFC000  }
0x8f: {  	[hbm4b:s29+s3] =	stream.linear.scatter [tilespmem:s8], [sflag:$0x4], $0x4000, $0x38;
	[tilespmem:$0xC400] =	vst v63  }
0x90: {  	_ =	swait.ge [sflag:s14], $0x4000  }
0x91: {  	[sflag:s14] =	ssyncset.done $0x0  }
0x92: {  	[sflag:s14] =	ssyncadd.s32 $0xFFFFC000  }
0x93: {  	[hbm4b:s30+s3] =	stream.linear.scatter [tilespmem:s9], [sflag:$0x5], $0x4000, $0x38;
	[tilespmem:$0xC400] =	vst v63  }
0x94: {  	_ =	swait.ge [sflag:s16], $0x4000  }
0x95: {  	p0 =	sne.s32 s31, $0x1;
	[sflag:s16] =	ssyncset.done $0x0  }
.Ltmp1:
0x96: {  	[sflag:s16] =	ssyncadd.s32 $0xFFFFC000;
	(pc) =	sbr.rel @p0 .LBB2_1-.Ltmp1, $4  }
0x97: {  	_ =	swait.ge [sflag:s20], $0x4000  }
0x98: {  	[sflag:s20] =	ssyncset.done $0x0  }
0x99: {  	[sflag:s20] =	ssyncadd.s32 $0xFFFFC000  }
0x9a: {  	s31 =	sadd.s32 $0xFFFFFFFF, s31;
	_ =	swait.ge [sflag:s22], $0x4000  }
.LBB2_2:
0x9b: {  	[sflag:s22] =	ssyncset.done $0x0  }
0x9c: {  	[sflag:s22] =	ssyncadd.s32 $0xFFFFC000  }
0x9d: {  	_ =	sfence.sel $0x180000  }
0x9e: {  	[bflag:$0x0] =	sbarrier.arrive $0xFFFF  }
0x9f: {  	_ =	strace $0x90000047  }
0xa0: {  	[bflag:$0x2] =	sbarrier.arrive $0xFFFF  }
0xa1: {  	p0 =	sne.s32 s0, $0x0;
	s0 =	rddreg [dreg:$0x4]  }
0xa2: {  	s0 =	sadd.s32 @!p0 $0x100000, s0  }
0xa3: {  	[sflag:s0] =	ssyncadd.tile.s32 @!p0 $0x1;
	_ =	shalt  }
.Lfunc_end2:
_tile_overlayer_lowered:
.L_overlay_start_2:
0xa4: {  	(tag) =	ssettag $0x2  }
0xa5: {  	s0 =	rddreg [dreg:$0x0];
	s2 =	stileid.u32  }
0xa6: {  	s1 =	rddreg [dreg:$0x1];
	p0 =	sne.s32 s2, $0x0  }
0xa7: {  	s3 =	rddreg [dreg:$0x2];
	[bflag:$0x3] =	sbarrier.arrive $0xFFFF;
	s2 =	simm.s32 @!p0 $0x1C07  }
0xa8: {  	[timem:s3], [sflag:s2] =	dma.local @!p0 [hbm:s0], s1  }
0xa9: {  	s0 =	simm.s32 @!p0 $0x7  }
0xaa: {  	_ =	swait.ge @!p0 [sflag:s0], s1  }
0xab: {  	s1 =	ssub.s32 @!p0 $0x0, s1;
	[sflag:s0] =	ssyncset.done @!p0 $0x0  }
0xac: {  	[sflag:s0] =	ssyncadd.s32 @!p0 s1  }
0xad: {  	[bflag:$0x3] =	sbarrier.arrive $0xFFFF  }
0xae: {  	_ =	shalt  }

</sc_bundles>
